<compile_context>
chip_gen: v7x
topology: tpu7x:2x2x1
jax: 0.10.2.dev20260603
libtpu: 0.0.44.dev20260713+nightly
codegen_flags: <defaults>
</compile_context>

<pallas_src>
import jax
import jax.numpy as jnp
from jax import lax
from jax.experimental import pallas as pl
from jax.experimental.pallas import tpu as pltpu
from jax.experimental.pallas import tpu_sc as plsc

N = 100000
D = 128
B = 16384
HALF_LIFE = 40.0
LN2 = 0.69314718

NC = 2
NS = 16
NW = NC * NS
RW = 3128
RWL = N - (NW - 1) * RW
TL = RW - RWL
PREV = 3136
CH = 128
CAP = 3200
NWV = PREV // 16
COEF = -LN2 / HALF_LIFE
UNR = 4


def _body(mem_hbm, lts_hbm, ids_hbm, ns_hbm, ts_hbm, out_hbm, mask_hbm,
          ids_v, ts_v, win_v, gid_v, occ_v, prevts_v, alpha_v,
          ns_v, old_v, nb_v, mask_v, sem_ids, sem_ts, sem_pts, sem_ns,
          sem_old, sem_cp, sem_cp2):
  w = lax.axis_index("s") * NC + lax.axis_index("c")
  lo = w * RW
  hi = jnp.minimum(lo + RW, N)
  base = jnp.minimum(lo, N - PREV)

  iota16 = lax.iota(jnp.int32, 16)
  last_lane = iota16 == 15
  rot1 = (iota16 + 1) & 15

  dids = pltpu.async_copy(ids_hbm, ids_v, sem_ids)
  dts = pltpu.async_copy(ts_hbm, ts_v, sem_ts)
  dpts = pltpu.async_copy(lts_hbm.at[pl.ds(base, PREV)], prevts_v, sem_pts)

  @plsc.parallel_loop(0, NWV, step=1, unroll=4)
  def _init(i):
    win_v[pl.ds(i * 16, 16)] = jnp.full((16,), -1, jnp.int32)

  dids.wait()

  def scan_body(i, carry):
    for u in range(UNR):
      iv = i * UNR + u
      idv = ids_v[pl.ds(iv * 16, 16)]
      occv = iv * 16 + iota16
      valid = (idv >= lo) & (idv < hi)
      c = jnp.where(valid, ((idv - lo) << 14) | occv, -1)
      cs, _ = plsc.sort_key_val(c, c)
      nb_v[pl.ds(u * 16, 16)] = cs
      nxt = plsc.load_gather(nb_v, [u * 16 + rot1])
      lid = cs >> 14
      winner = (cs >= 0) & ((lid != (nxt >> 14)) | last_lane)
      plsc.store_scatter(win_v, [lid], cs & 0x3FFF, mask=winner)
    return carry
  lax.fori_loop(0, B // (16 * UNR), scan_body, 0)

  @plsc.parallel_loop(0, NWV, step=1, unroll=4)
  def _mask(i):
    mask_v[pl.ds(i * 16, 16)] = jnp.where(
        win_v[pl.ds(i * 16, 16)] >= 0, 1, 0).astype(jnp.int32)

  off2 = lo + jnp.where(w < NW - 1, RWL, 0)
  src2 = jnp.where(w < NW - 1, RWL, 0)
  dmk = pltpu.async_copy(mask_v.at[pl.ds(0, RWL)],
                         mask_hbm.at[pl.ds(lo, RWL)], sem_cp)
  dmk2 = pltpu.async_copy(mask_v.at[pl.ds(src2, TL)],
                          mask_hbm.at[pl.ds(off2, TL)], sem_cp2)

  def comp_body(i, cnt):
    v = win_v[pl.ds(i * 16, 16)]
    m = v >= 0
    gidv = (i * 16 + iota16) + lo
    pref = plsc.cumsum(jnp.where(m, 1, 0).astype(jnp.int32))
    pos = jnp.minimum(cnt + pref - 1, CAP - 1)
    plsc.store_scatter(gid_v, [pos], gidv, mask=m)
    plsc.store_scatter(occ_v, [pos], v, mask=m)
    return cnt + pref[15]
  K = lax.fori_loop(0, NWV, comp_body, jnp.int32(0))

  npad = (-K) % CH
  kp = K + npad
  last = jnp.broadcast_to(jnp.maximum(K - 1, 0), (16,))
  lastg = plsc.load_gather(gid_v, [last])
  lasto = plsc.load_gather(occ_v, [last])
  for j in range(CH // 16):
    pidx = K + j * 16 + iota16
    pm = pidx < kp
    pidxc = jnp.minimum(pidx, CAP - 1)
    plsc.store_scatter(gid_v, [pidxc], lastg, mask=pm)
    plsc.store_scatter(occ_v, [pidxc], lasto, mask=pm)

  dts.wait()
  dpts.wait()

  def chunk_body(cidx, carry):
    off = cidx * CH
    dns = pltpu.async_copy(ns_hbm.at[occ_v.at[pl.ds(off, CH)]], ns_v, sem_ns)
    dold = pltpu.async_copy(mem_hbm.at[gid_v.at[pl.ds(off, CH)]], old_v,
                            sem_old)
    for j in range(CH // 16):
      occv = occ_v[pl.ds(off + j * 16, 16)]
      gv = gid_v[pl.ds(off + j * 16, 16)]
      t = plsc.load_gather(ts_v, [occv])
      prev = plsc.load_gather(prevts_v, [gv - base])
      dt = jnp.maximum(t - prev, 0.0)
      alpha_v[pl.ds(j * 16, 16)] = jnp.exp(dt * COEF)
    dns.wait()
    dold.wait()

    @plsc.parallel_loop(0, CH, step=1, unroll=2)
    def _blend(r):
      av = plsc.load_gather(alpha_v, [jnp.broadcast_to(r, (16,))])
      for jj in range(D // 16):
        o = old_v[r, pl.ds(jj * 16, 16)]
        n = ns_v[r, pl.ds(jj * 16, 16)]
        old_v[r, pl.ds(jj * 16, 16)] = av * (o - n) + n

    pltpu.sync_copy(old_v, out_hbm.at[gid_v.at[pl.ds(off, CH)]])
    return carry
  lax.fori_loop(0, kp // CH, chunk_body, 0)
  dmk.wait()
  dmk2.wait()


@jax.jit
def _ema_scatter(memory, last_update_ts, node_ids, new_states, ts):
  mesh = plsc.VectorSubcoreMesh(core_axis_name="c", subcore_axis_name="s")
  table, mask = pl.kernel(
      _body,
      out_type=[jax.ShapeDtypeStruct((N, D), jnp.float32),
                jax.ShapeDtypeStruct((N,), jnp.int32)],
      mesh=mesh,
      compiler_params=pltpu.CompilerParams(needs_layout_passes=False),
      scratch_types=[
          pltpu.VMEM((B,), jnp.int32),
          pltpu.VMEM((B,), jnp.float32),
          pltpu.VMEM((NWV * 16,), jnp.int32),
          pltpu.VMEM((CAP,), jnp.int32),
          pltpu.VMEM((CAP,), jnp.int32),
          pltpu.VMEM((PREV,), jnp.float32),
          pltpu.VMEM((CH,), jnp.float32),
          pltpu.VMEM((CH, D), jnp.float32),
          pltpu.VMEM((CH, D), jnp.float32),
          pltpu.VMEM((UNR * 16,), jnp.int32),
          pltpu.VMEM((PREV,), jnp.int32),
          pltpu.SemaphoreType.DMA,
          pltpu.SemaphoreType.DMA,
          pltpu.SemaphoreType.DMA,
          pltpu.SemaphoreType.DMA,
          pltpu.SemaphoreType.DMA,
          pltpu.SemaphoreType.DMA,
          pltpu.SemaphoreType.DMA,
      ],
  )(memory, last_update_ts, node_ids, new_states, ts)
  return jnp.where(mask[:, None] != 0, table, memory)


def kernel(memory, last_update_ts, node_ids, new_states, ts):
  return _ema_scatter(memory, last_update_ts, node_ids.astype(jnp.int32),
                      new_states, ts)

# --- scband reference (transcript-rebuilt; emitter-appended) ---
"""Pipeline reference for scband-dual-interface-10788957848115 (READ-ONLY COPY).

The authoritative reference and input builder live on the scoring server;
editing this copy changes nothing except your own understanding.
"""

import jax, jax.numpy as jnp
import numpy as np

NUM_NODES = 100000
MEM_DIM = 128
BATCH = 16384
HALF_LIFE = 40.0
LN2 = 0.69314718


def setup_inputs(seed: int = 0) -> dict:
    key = jax.random.key(seed)
    k1, k2, k3 = jax.random.split(key, 3)
    node_ids = jax.random.randint(k1, (BATCH,), 0, NUM_NODES, dtype=jnp.int64 if jax.config.jax_enable_x64 else jnp.int32)
    new_states = jax.random.normal(k2, (BATCH, MEM_DIM), dtype=jnp.float32)
    ts = jax.random.uniform(k3, (BATCH,), dtype=jnp.float32, minval=0.0, maxval=1000.0)
    # NodeMemory buffers (registered buffers in the torch module)
    memory = jnp.zeros((NUM_NODES, MEM_DIM), dtype=jnp.float32)
    last_update_ts = jnp.full((NUM_NODES,), -1.0, dtype=jnp.float32)
    return {"memory": memory, "last_update_ts": last_update_ts, "node_ids": node_ids, "new_states": new_states, "ts": ts}


def reference(memory, last_update_ts, node_ids, new_states, ts):
    # Faithful translation of NodeMemory.ema_update followed by returning the
    # updated memory table (the module's scatter-write interface).
    prev_ts = jnp.take(last_update_ts, node_ids, axis=0)            # gather [B]
    dt = jnp.clip(ts - prev_ts, 0.0, None)
    alpha = jnp.exp(-LN2 * dt / HALF_LIFE)[:, None]                 # [B,1]
    old = jnp.take(memory, node_ids, axis=0)                        # gather [B,D]
    new = alpha * old + (1.0 - alpha) * new_states                  # EMA blend
    memory_new = memory.at[node_ids].set(new)                       # scatter-overwrite
    return memory_new

if __name__ == "__main__":
    import jax
    _d = setup_inputs()
    print(jax.jit(kernel)(*tuple(_d.values())))

</pallas_src>

<mosaic_0001>
#map = affine_map<(d0, d1) -> (0, 0)>
#map1 = affine_map<(d0, d1) -> (0)>
module attributes {stable_mosaic.version = 14 : i64} {
  func.func @_body(%arg0: i32, %arg1: i32, %arg2: memref<100000x128xf32, #tpu.memory_space<hbm>>, %arg3: memref<100000xf32, #tpu.memory_space<hbm>>, %arg4: memref<16384xi32, #tpu.memory_space<hbm>>, %arg5: memref<16384x128xf32, #tpu.memory_space<hbm>>, %arg6: memref<16384xf32, #tpu.memory_space<hbm>>, %arg7: memref<100000x128xf32, #tpu.memory_space<hbm>>, %arg8: memref<100000xi32, #tpu.memory_space<hbm>>, %arg9: memref<16384xi32, #tpu.memory_space<vmem>>, %arg10: memref<16384xf32, #tpu.memory_space<vmem>>, %arg11: memref<3136xi32, #tpu.memory_space<vmem>>, %arg12: memref<3200xi32, #tpu.memory_space<vmem>>, %arg13: memref<3200xi32, #tpu.memory_space<vmem>>, %arg14: memref<3136xf32, #tpu.memory_space<vmem>>, %arg15: memref<128xf32, #tpu.memory_space<vmem>>, %arg16: memref<128x128xf32, #tpu.memory_space<vmem>>, %arg17: memref<128x128xf32, #tpu.memory_space<vmem>>, %arg18: memref<64xi32, #tpu.memory_space<vmem>>, %arg19: memref<3136xi32, #tpu.memory_space<vmem>>, %arg20: memref<!tpu.dma_semaphore, #tpu.memory_space<semaphore_mem>>, %arg21: memref<!tpu.dma_semaphore, #tpu.memory_space<semaphore_mem>>, %arg22: memref<!tpu.dma_semaphore, #tpu.memory_space<semaphore_mem>>, %arg23: memref<!tpu.dma_semaphore, #tpu.memory_space<semaphore_mem>>, %arg24: memref<!tpu.dma_semaphore, #tpu.memory_space<semaphore_mem>>, %arg25: memref<!tpu.dma_semaphore, #tpu.memory_space<semaphore_mem>>, %arg26: memref<!tpu.dma_semaphore, #tpu.memory_space<semaphore_mem>>) attributes {dimension_semantics = [#tpu.dimension_semantics<core_parallel>, #tpu.dimension_semantics<subcore_parallel>], iteration_bounds = array<i64: 2, 16>, scalar_prefetch = 0 : i64, scratch_operands = 18 : i64, tpu.core_type = #tpu.core_type<sc_vector_subcore>, window_params = [{transform_indices = #map}, {transform_indices = #map1}, {transform_indices = #map1}, {transform_indices = #map}, {transform_indices = #map1}, {transform_indices = #map}, {transform_indices = #map1}]} {
    %mul3A = arith.constant 2 : i32
    %mul3A_0 = arith.muli %arg1, %mul3A : i32
    %add3A = arith.addi %mul3A_0, %arg0 : i32
    %mul3A_1 = arith.constant 3128 : i32
    %mul3A_2 = arith.muli %add3A, %mul3A_1 : i32
    %add3A_3 = arith.constant 3128 : i32
    %add3A_4 = arith.addi %mul3A_2, %add3A_3 : i32
    %min3A = arith.constant 100000 : i32
    %min3A_5 = arith.minsi %add3A_4, %min3A : i32
    %min3A_6 = arith.constant 96864 : i32
    %min3A_7 = arith.minsi %mul3A_2, %min3A_6 : i32
    %iota3A = tpu.iota {dimensions = array<i32: 0>} : vector<16xi32>
    %eq3A = arith.constant 15 : i32
    %eq3A_8 = vector.broadcast %eq3A : i32 to vector<16xi32>
    %eq3A_9 = arith.cmpi eq, %iota3A, %eq3A_8 : vector<16xi32>
    %add3A_10 = arith.constant 1 : i32
    %add3A_11 = vector.broadcast %add3A_10 : i32 to vector<16xi32>
    %add3A_12 = arith.addi %iota3A, %add3A_11 : vector<16xi32>
    %and3A = arith.constant 15 : i32
    %and3A_13 = vector.broadcast %and3A : i32 to vector<16xi32>
    %and3A_14 = arith.andi %add3A_12, %and3A_13 : vector<16xi32>
    tpu.enqueue_dma source(%arg4 : memref<16384xi32, #tpu.memory_space<hbm>>) target(%arg9 : memref<16384xi32, #tpu.memory_space<vmem>>) target_semaphore(%arg20 : memref<!tpu.dma_semaphore, #tpu.memory_space<semaphore_mem>>)
    tpu.enqueue_dma source(%arg6 : memref<16384xf32, #tpu.memory_space<hbm>>) target(%arg10 : memref<16384xf32, #tpu.memory_space<vmem>>) target_semaphore(%arg21 : memref<!tpu.dma_semaphore, #tpu.memory_space<semaphore_mem>>)
    %dma_start3A = tpu.memref_slice %arg3[%min3A_7] : memref<100000xf32, #tpu.memory_space<hbm>> -> memref<3136xf32, #tpu.memory_space<hbm>>
    %dma_start3A_15 = tpu.memref_slice %arg3[%min3A_7] : memref<100000xf32, #tpu.memory_space<hbm>> -> memref<3136xf32, #tpu.memory_space<hbm>>
    tpu.enqueue_dma source(%dma_start3A_15 : memref<3136xf32, #tpu.memory_space<hbm>>) target(%arg14 : memref<3136xf32, #tpu.memory_space<vmem>>) target_semaphore(%arg22 : memref<!tpu.dma_semaphore, #tpu.memory_space<semaphore_mem>>)
    %parallel_loop3A = arith.constant 0 : i32
    %parallel_loop3A_16 = arith.constant 196 : i32
    %parallel_loop3A_17 = arith.constant 1 : i32
    scf.for %parallel_loop3A_184 = %parallel_loop3A to %parallel_loop3A_16 step %parallel_loop3A_17  : i32 {
      %parallel_loop3A_185 = arith.constant -1 : i32
      %parallel_loop3A_186 = vector.broadcast %parallel_loop3A_185 : i32 to vector<16xi32>
      %parallel_loop3A_187 = arith.constant 16 : i32
      %parallel_loop3A_188 = arith.muli %parallel_loop3A_184, %parallel_loop3A_187 : i32
      %parallel_loop3A_189 = arith.index_cast %parallel_loop3A_188 : i32 to index
      %parallel_loop3A_190 = tpu.vector_load %arg11[%parallel_loop3A_189] {strides = array<i32>} : memref<3136xi32, #tpu.memory_space<vmem>>, vector<16xi32>,
      tpu.vector_store %arg11[%parallel_loop3A_189], %parallel_loop3A_186 {strides = array<i32>} : memref<3136xi32, #tpu.memory_space<vmem>>, vector<16xi32>,
    } {sc.loop_unroll_factor = 4 : i64, sc.parallel_access}
    tpu.wait_dma2 semaphore(%arg20 : memref<!tpu.dma_semaphore, #tpu.memory_space<semaphore_mem>>) src(%arg4 : memref<16384xi32, #tpu.memory_space<hbm>>) dst(%arg9 : memref<16384xi32, #tpu.memory_space<vmem>>)
    %scan3A = arith.constant 0 : i32
    %scan3A_18 = arith.constant 0 : i32
    %scan3A_19 = arith.constant 256 : i32
    %scan3A_20 = arith.addi %scan3A_18, %scan3A_19 : i32
    %scan3A_21 = arith.constant 1 : i32
    scf.for %scan3A_184 = %scan3A_18 to %scan3A_20 step %scan3A_21  : i32 {
      %mul3A_185 = arith.constant 4 : i32
      %mul3A_186 = arith.muli %scan3A_184, %mul3A_185 : i32
      %add3A_187 = arith.constant 0 : i32
      %add3A_188 = arith.addi %mul3A_186, %add3A_187 : i32
      %mul3A_189 = arith.constant 16 : i32
      %mul3A_190 = arith.muli %add3A_188, %mul3A_189 : i32
      %get3A = arith.index_cast %mul3A_190 : i32 to index
      %get3A_191 = tpu.vector_load %arg9[%get3A] {strides = array<i32>} : memref<16384xi32, #tpu.memory_space<vmem>>, vector<16xi32>,
      %mul3A_192 = arith.constant 16 : i32
      %mul3A_193 = arith.muli %add3A_188, %mul3A_192 : i32
      %add3A_194 = vector.broadcast %mul3A_193 : i32 to vector<16xi32>
      %add3A_195 = arith.addi %add3A_194, %iota3A : vector<16xi32>
      %ge3A = vector.broadcast %mul3A_2 : i32 to vector<16xi32>
      %ge3A_196 = arith.cmpi sge, %get3A_191, %ge3A : vector<16xi32>
      %lt3A_197 = vector.broadcast %min3A_5 : i32 to vector<16xi32>
      %lt3A_198 = arith.cmpi slt, %get3A_191, %lt3A_197 : vector<16xi32>
      %and3A_199 = arith.andi %ge3A_196, %lt3A_198 : vector<16xi1>
      %sub3A_200 = vector.broadcast %mul3A_2 : i32 to vector<16xi32>
      %sub3A_201 = arith.subi %get3A_191, %sub3A_200 : vector<16xi32>
      %shift_left3A = arith.constant 14 : i32
      %shift_left3A_202 = vector.broadcast %shift_left3A : i32 to vector<16xi32>
      %shift_left3A_203 = arith.shli %sub3A_201, %shift_left3A_202 : vector<16xi32>
      %or3A = arith.ori %shift_left3A_203, %add3A_195 : vector<16xi32>
      %jit3A_204 = arith.constant -1 : i32
      %broadcast_in_dim3A_205 = vector.broadcast %jit3A_204 : i32 to vector<16xi32>
      %select_n3A_206 = arith.select %and3A_199, %or3A, %broadcast_in_dim3A_205 : vector<16xi1>, vector<16xi32>
      %masked_sort3A = arith.constant dense<true> : vector<16xi1>
      %masked_sort3A_207 = arith.constant -2147483648 : i32
      %masked_sort3A_208 = vector.broadcast %masked_sort3A_207 : i32 to vector<16xi32>
      %masked_sort3A_209 = arith.xori %select_n3A_206, %masked_sort3A_208 : vector<16xi32>
      %masked_sort3A_210, %masked_sort3A_211, %masked_sort3A_212 = tpu.sort %masked_sort3A_209, %select_n3A_206 masked %masked_sort3A : (vector<16xi32>, vector<16xi32>, vector<16xi1>) -> (vector<16xi1>, vector<16xi32>, vector<16xi32>)
      %masked_sort3A_213 = arith.xori %masked_sort3A_211, %masked_sort3A_208 : vector<16xi32>
      %swap3A = arith.constant 0 : index
      %swap3A_214 = tpu.vector_load %arg18[%swap3A] {strides = array<i32>} : memref<64xi32, #tpu.memory_space<vmem>>, vector<16xi32>,
      tpu.vector_store %arg18[%swap3A], %masked_sort3A_213 {strides = array<i32>} : memref<64xi32, #tpu.memory_space<vmem>>, vector<16xi32>,
      %add3A_215 = arith.constant 0 : i32
      %add3A_216 = vector.broadcast %add3A_215 : i32 to vector<16xi32>
      %add3A_217 = arith.addi %add3A_216, %and3A_14 : vector<16xi32>
      %gather3A_218 = tpu.vector_load_idx %arg18[%add3A_217] : memref<64xi32, #tpu.memory_space<vmem>>[vector<16xi32>], vector<16xi32>,
      %shift_right_arithmetic3A = arith.constant 14 : i32
      %shift_right_arithmetic3A_219 = vector.broadcast %shift_right_arithmetic3A : i32 to vector<16xi32>
      %shift_right_arithmetic3A_220 = arith.shrsi %masked_sort3A_213, %shift_right_arithmetic3A_219 : vector<16xi32>
      %ge3A_221 = arith.constant 0 : i32
      %ge3A_222 = vector.broadcast %ge3A_221 : i32 to vector<16xi32>
      %ge3A_223 = arith.cmpi sge, %masked_sort3A_213, %ge3A_222 : vector<16xi32>
      %shift_right_arithmetic3A_224 = arith.constant 14 : i32
      %shift_right_arithmetic3A_225 = vector.broadcast %shift_right_arithmetic3A_224 : i32 to vector<16xi32>
      %shift_right_arithmetic3A_226 = arith.shrsi %gather3A_218, %shift_right_arithmetic3A_225 : vector<16xi32>
      %ne3A_227 = arith.cmpi ne, %shift_right_arithmetic3A_220, %shift_right_arithmetic3A_226 : vector<16xi32>
      %or3A_228 = arith.ori %ne3A_227, %eq3A_9 : vector<16xi1>
      %and3A_229 = arith.andi %ge3A_223, %or3A_228 : vector<16xi1>
      %and3A_230 = arith.constant 16383 : i32
      %and3A_231 = vector.broadcast %and3A_230 : i32 to vector<16xi32>
      %and3A_232 = arith.andi %masked_sort3A_213, %and3A_231 : vector<16xi32>
      tpu.vector_store_idx %arg11[%shift_right_arithmetic3A_220], %and3A_232 masked %and3A_229 : memref<3136xi32, #tpu.memory_space<vmem>>[vector<16xi32>], vector<16xi32>, vector<16xi1>
      %mul3A_233 = arith.constant 4 : i32
      %mul3A_234 = arith.muli %scan3A_184, %mul3A_233 : i32
      %add3A_235 = arith.constant 1 : i32
      %add3A_236 = arith.addi %mul3A_234, %add3A_235 : i32
      %mul3A_237 = arith.constant 16 : i32
      %mul3A_238 = arith.muli %add3A_236, %mul3A_237 : i32
      %get3A_239 = arith.index_cast %mul3A_238 : i32 to index
      %get3A_240 = tpu.vector_load %arg9[%get3A_239] {strides = array<i32>} : memref<16384xi32, #tpu.memory_space<vmem>>, vector<16xi32>,
      %mul3A_241 = arith.constant 16 : i32
      %mul3A_242 = arith.muli %add3A_236, %mul3A_241 : i32
      %add3A_243 = vector.broadcast %mul3A_242 : i32 to vector<16xi32>
      %add3A_244 = arith.addi %add3A_243, %iota3A : vector<16xi32>
      %ge3A_245 = vector.broadcast %mul3A_2 : i32 to vector<16xi32>
      %ge3A_246 = arith.cmpi sge, %get3A_240, %ge3A_245 : vector<16xi32>
      %lt3A_247 = vector.broadcast %min3A_5 : i32 to vector<16xi32>
      %lt3A_248 = arith.cmpi slt, %get3A_240, %lt3A_247 : vector<16xi32>
      %and3A_249 = arith.andi %ge3A_246, %lt3A_248 : vector<16xi1>
      %sub3A_250 = vector.broadcast %mul3A_2 : i32 to vector<16xi32>
      %sub3A_251 = arith.subi %get3A_240, %sub3A_250 : vector<16xi32>
      %shift_left3A_252 = arith.constant 14 : i32
      %shift_left3A_253 = vector.broadcast %shift_left3A_252 : i32 to vector<16xi32>
      %shift_left3A_254 = arith.shli %sub3A_251, %shift_left3A_253 : vector<16xi32>
      %or3A_255 = arith.ori %shift_left3A_254, %add3A_244 : vector<16xi32>
      %jit3A_256 = arith.constant -1 : i32
      %broadcast_in_dim3A_257 = vector.broadcast %jit3A_256 : i32 to vector<16xi32>
      %select_n3A_258 = arith.select %and3A_249, %or3A_255, %broadcast_in_dim3A_257 : vector<16xi1>, vector<16xi32>
      %masked_sort3A_259 = arith.constant dense<true> : vector<16xi1>
      %masked_sort3A_260 = arith.constant -2147483648 : i32
      %masked_sort3A_261 = vector.broadcast %masked_sort3A_260 : i32 to vector<16xi32>
      %masked_sort3A_262 = arith.xori %select_n3A_258, %masked_sort3A_261 : vector<16xi32>
      %masked_sort3A_263, %masked_sort3A_264, %masked_sort3A_265 = tpu.sort %masked_sort3A_262, %select_n3A_258 masked %masked_sort3A_259 : (vector<16xi32>, vector<16xi32>, vector<16xi1>) -> (vector<16xi1>, vector<16xi32>, vector<16xi32>)
      %masked_sort3A_266 = arith.xori %masked_sort3A_264, %masked_sort3A_261 : vector<16xi32>
      %swap3A_267 = arith.constant 16 : index
      %swap3A_268 = tpu.vector_load %arg18[%swap3A_267] {strides = array<i32>} : memref<64xi32, #tpu.memory_space<vmem>>, vector<16xi32>,
      tpu.vector_store %arg18[%swap3A_267], %masked_sort3A_266 {strides = array<i32>} : memref<64xi32, #tpu.memory_space<vmem>>, vector<16xi32>,
      %add3A_269 = arith.constant 16 : i32
      %add3A_270 = vector.broadcast %add3A_269 : i32 to vector<16xi32>
      %add3A_271 = arith.addi %add3A_270, %and3A_14 : vector<16xi32>
      %gather3A_272 = tpu.vector_load_idx %arg18[%add3A_271] : memref<64xi32, #tpu.memory_space<vmem>>[vector<16xi32>], vector<16xi32>,
      %shift_right_arithmetic3A_273 = arith.constant 14 : i32
      %shift_right_arithmetic3A_274 = vector.broadcast %shift_right_arithmetic3A_273 : i32 to vector<16xi32>
      %shift_right_arithmetic3A_275 = arith.shrsi %masked_sort3A_266, %shift_right_arithmetic3A_274 : vector<16xi32>
      %ge3A_276 = arith.constant 0 : i32
      %ge3A_277 = vector.broadcast %ge3A_276 : i32 to vector<16xi32>
      %ge3A_278 = arith.cmpi sge, %masked_sort3A_266, %ge3A_277 : vector<16xi32>
      %shift_right_arithmetic3A_279 = arith.constant 14 : i32
      %shift_right_arithmetic3A_280 = vector.broadcast %shift_right_arithmetic3A_279 : i32 to vector<16xi32>
      %shift_right_arithmetic3A_281 = arith.shrsi %gather3A_272, %shift_right_arithmetic3A_280 : vector<16xi32>
      %ne3A_282 = arith.cmpi ne, %shift_right_arithmetic3A_275, %shift_right_arithmetic3A_281 : vector<16xi32>
      %or3A_283 = arith.ori %ne3A_282, %eq3A_9 : vector<16xi1>
      %and3A_284 = arith.andi %ge3A_278, %or3A_283 : vector<16xi1>
      %and3A_285 = arith.constant 16383 : i32
      %and3A_286 = vector.broadcast %and3A_285 : i32 to vector<16xi32>
      %and3A_287 = arith.andi %masked_sort3A_266, %and3A_286 : vector<16xi32>
      tpu.vector_store_idx %arg11[%shift_right_arithmetic3A_275], %and3A_287 masked %and3A_284 : memref<3136xi32, #tpu.memory_space<vmem>>[vector<16xi32>], vector<16xi32>, vector<16xi1>
      %mul3A_288 = arith.constant 4 : i32
      %mul3A_289 = arith.muli %scan3A_184, %mul3A_288 : i32
      %add3A_290 = arith.constant 2 : i32
      %add3A_291 = arith.addi %mul3A_289, %add3A_290 : i32
      %mul3A_292 = arith.constant 16 : i32
      %mul3A_293 = arith.muli %add3A_291, %mul3A_292 : i32
      %get3A_294 = arith.index_cast %mul3A_293 : i32 to index
      %get3A_295 = tpu.vector_load %arg9[%get3A_294] {strides = array<i32>} : memref<16384xi32, #tpu.memory_space<vmem>>, vector<16xi32>,
      %mul3A_296 = arith.constant 16 : i32
      %mul3A_297 = arith.muli %add3A_291, %mul3A_296 : i32
      %add3A_298 = vector.broadcast %mul3A_297 : i32 to vector<16xi32>
      %add3A_299 = arith.addi %add3A_298, %iota3A : vector<16xi32>
      %ge3A_300 = vector.broadcast %mul3A_2 : i32 to vector<16xi32>
      %ge3A_301 = arith.cmpi sge, %get3A_295, %ge3A_300 : vector<16xi32>
      %lt3A_302 = vector.broadcast %min3A_5 : i32 to vector<16xi32>
      %lt3A_303 = arith.cmpi slt, %get3A_295, %lt3A_302 : vector<16xi32>
      %and3A_304 = arith.andi %ge3A_301, %lt3A_303 : vector<16xi1>
      %sub3A_305 = vector.broadcast %mul3A_2 : i32 to vector<16xi32>
      %sub3A_306 = arith.subi %get3A_295, %sub3A_305 : vector<16xi32>
      %shift_left3A_307 = arith.constant 14 : i32
      %shift_left3A_308 = vector.broadcast %shift_left3A_307 : i32 to vector<16xi32>
      %shift_left3A_309 = arith.shli %sub3A_306, %shift_left3A_308 : vector<16xi32>
      %or3A_310 = arith.ori %shift_left3A_309, %add3A_299 : vector<16xi32>
      %jit3A_311 = arith.constant -1 : i32
      %broadcast_in_dim3A_312 = vector.broadcast %jit3A_311 : i32 to vector<16xi32>
      %select_n3A_313 = arith.select %and3A_304, %or3A_310, %broadcast_in_dim3A_312 : vector<16xi1>, vector<16xi32>
      %masked_sort3A_314 = arith.constant dense<true> : vector<16xi1>
      %masked_sort3A_315 = arith.constant -2147483648 : i32
      %masked_sort3A_316 = vector.broadcast %masked_sort3A_315 : i32 to vector<16xi32>
      %masked_sort3A_317 = arith.xori %select_n3A_313, %masked_sort3A_316 : vector<16xi32>
      %masked_sort3A_318, %masked_sort3A_319, %masked_sort3A_320 = tpu.sort %masked_sort3A_317, %select_n3A_313 masked %masked_sort3A_314 : (vector<16xi32>, vector<16xi32>, vector<16xi1>) -> (vector<16xi1>, vector<16xi32>, vector<16xi32>)
      %masked_sort3A_321 = arith.xori %masked_sort3A_319, %masked_sort3A_316 : vector<16xi32>
      %swap3A_322 = arith.constant 32 : index
      %swap3A_323 = tpu.vector_load %arg18[%swap3A_322] {strides = array<i32>} : memref<64xi32, #tpu.memory_space<vmem>>, vector<16xi32>,
      tpu.vector_store %arg18[%swap3A_322], %masked_sort3A_321 {strides = array<i32>} : memref<64xi32, #tpu.memory_space<vmem>>, vector<16xi32>,
      %add3A_324 = arith.constant 32 : i32
      %add3A_325 = vector.broadcast %add3A_324 : i32 to vector<16xi32>
      %add3A_326 = arith.addi %add3A_325, %and3A_14 : vector<16xi32>
      %gather3A_327 = tpu.vector_load_idx %arg18[%add3A_326] : memref<64xi32, #tpu.memory_space<vmem>>[vector<16xi32>], vector<16xi32>,
      %shift_right_arithmetic3A_328 = arith.constant 14 : i32
      %shift_right_arithmetic3A_329 = vector.broadcast %shift_right_arithmetic3A_328 : i32 to vector<16xi32>
      %shift_right_arithmetic3A_330 = arith.shrsi %masked_sort3A_321, %shift_right_arithmetic3A_329 : vector<16xi32>
      %ge3A_331 = arith.constant 0 : i32
      %ge3A_332 = vector.broadcast %ge3A_331 : i32 to vector<16xi32>
      %ge3A_333 = arith.cmpi sge, %masked_sort3A_321, %ge3A_332 : vector<16xi32>
      %shift_right_arithmetic3A_334 = arith.constant 14 : i32
      %shift_right_arithmetic3A_335 = vector.broadcast %shift_right_arithmetic3A_334 : i32 to vector<16xi32>
      %shift_right_arithmetic3A_336 = arith.shrsi %gather3A_327, %shift_right_arithmetic3A_335 : vector<16xi32>
      %ne3A_337 = arith.cmpi ne, %shift_right_arithmetic3A_330, %shift_right_arithmetic3A_336 : vector<16xi32>
      %or3A_338 = arith.ori %ne3A_337, %eq3A_9 : vector<16xi1>
      %and3A_339 = arith.andi %ge3A_333, %or3A_338 : vector<16xi1>
      %and3A_340 = arith.constant 16383 : i32
      %and3A_341 = vector.broadcast %and3A_340 : i32 to vector<16xi32>
      %and3A_342 = arith.andi %masked_sort3A_321, %and3A_341 : vector<16xi32>
      tpu.vector_store_idx %arg11[%shift_right_arithmetic3A_330], %and3A_342 masked %and3A_339 : memref<3136xi32, #tpu.memory_space<vmem>>[vector<16xi32>], vector<16xi32>, vector<16xi1>
      %mul3A_343 = arith.constant 4 : i32
      %mul3A_344 = arith.muli %scan3A_184, %mul3A_343 : i32
      %add3A_345 = arith.constant 3 : i32
      %add3A_346 = arith.addi %mul3A_344, %add3A_345 : i32
      %mul3A_347 = arith.constant 16 : i32
      %mul3A_348 = arith.muli %add3A_346, %mul3A_347 : i32
      %get3A_349 = arith.index_cast %mul3A_348 : i32 to index
      %get3A_350 = tpu.vector_load %arg9[%get3A_349] {strides = array<i32>} : memref<16384xi32, #tpu.memory_space<vmem>>, vector<16xi32>,
      %mul3A_351 = arith.constant 16 : i32
      %mul3A_352 = arith.muli %add3A_346, %mul3A_351 : i32
      %add3A_353 = vector.broadcast %mul3A_352 : i32 to vector<16xi32>
      %add3A_354 = arith.addi %add3A_353, %iota3A : vector<16xi32>
      %ge3A_355 = vector.broadcast %mul3A_2 : i32 to vector<16xi32>
      %ge3A_356 = arith.cmpi sge, %get3A_350, %ge3A_355 : vector<16xi32>
      %lt3A_357 = vector.broadcast %min3A_5 : i32 to vector<16xi32>
      %lt3A_358 = arith.cmpi slt, %get3A_350, %lt3A_357 : vector<16xi32>
      %and3A_359 = arith.andi %ge3A_356, %lt3A_358 : vector<16xi1>
      %sub3A_360 = vector.broadcast %mul3A_2 : i32 to vector<16xi32>
      %sub3A_361 = arith.subi %get3A_350, %sub3A_360 : vector<16xi32>
      %shift_left3A_362 = arith.constant 14 : i32
      %shift_left3A_363 = vector.broadcast %shift_left3A_362 : i32 to vector<16xi32>
      %shift_left3A_364 = arith.shli %sub3A_361, %shift_left3A_363 : vector<16xi32>
      %or3A_365 = arith.ori %shift_left3A_364, %add3A_354 : vector<16xi32>
      %jit3A_366 = arith.constant -1 : i32
      %broadcast_in_dim3A_367 = vector.broadcast %jit3A_366 : i32 to vector<16xi32>
      %select_n3A_368 = arith.select %and3A_359, %or3A_365, %broadcast_in_dim3A_367 : vector<16xi1>, vector<16xi32>
      %masked_sort3A_369 = arith.constant dense<true> : vector<16xi1>
      %masked_sort3A_370 = arith.constant -2147483648 : i32
      %masked_sort3A_371 = vector.broadcast %masked_sort3A_370 : i32 to vector<16xi32>
      %masked_sort3A_372 = arith.xori %select_n3A_368, %masked_sort3A_371 : vector<16xi32>
      %masked_sort3A_373, %masked_sort3A_374, %masked_sort3A_375 = tpu.sort %masked_sort3A_372, %select_n3A_368 masked %masked_sort3A_369 : (vector<16xi32>, vector<16xi32>, vector<16xi1>) -> (vector<16xi1>, vector<16xi32>, vector<16xi32>)
      %masked_sort3A_376 = arith.xori %masked_sort3A_374, %masked_sort3A_371 : vector<16xi32>
      %swap3A_377 = arith.constant 48 : index
      %swap3A_378 = tpu.vector_load %arg18[%swap3A_377] {strides = array<i32>} : memref<64xi32, #tpu.memory_space<vmem>>, vector<16xi32>,
      tpu.vector_store %arg18[%swap3A_377], %masked_sort3A_376 {strides = array<i32>} : memref<64xi32, #tpu.memory_space<vmem>>, vector<16xi32>,
      %add3A_379 = arith.constant 48 : i32
      %add3A_380 = vector.broadcast %add3A_379 : i32 to vector<16xi32>
      %add3A_381 = arith.addi %add3A_380, %and3A_14 : vector<16xi32>
      %gather3A_382 = tpu.vector_load_idx %arg18[%add3A_381] : memref<64xi32, #tpu.memory_space<vmem>>[vector<16xi32>], vector<16xi32>,
      %shift_right_arithmetic3A_383 = arith.constant 14 : i32
      %shift_right_arithmetic3A_384 = vector.broadcast %shift_right_arithmetic3A_383 : i32 to vector<16xi32>
      %shift_right_arithmetic3A_385 = arith.shrsi %masked_sort3A_376, %shift_right_arithmetic3A_384 : vector<16xi32>
      %ge3A_386 = arith.constant 0 : i32
      %ge3A_387 = vector.broadcast %ge3A_386 : i32 to vector<16xi32>
      %ge3A_388 = arith.cmpi sge, %masked_sort3A_376, %ge3A_387 : vector<16xi32>
      %shift_right_arithmetic3A_389 = arith.constant 14 : i32
      %shift_right_arithmetic3A_390 = vector.broadcast %shift_right_arithmetic3A_389 : i32 to vector<16xi32>
      %shift_right_arithmetic3A_391 = arith.shrsi %gather3A_382, %shift_right_arithmetic3A_390 : vector<16xi32>
      %ne3A_392 = arith.cmpi ne, %shift_right_arithmetic3A_385, %shift_right_arithmetic3A_391 : vector<16xi32>
      %or3A_393 = arith.ori %ne3A_392, %eq3A_9 : vector<16xi1>
      %and3A_394 = arith.andi %ge3A_388, %or3A_393 : vector<16xi1>
      %and3A_395 = arith.constant 16383 : i32
      %and3A_396 = vector.broadcast %and3A_395 : i32 to vector<16xi32>
      %and3A_397 = arith.andi %masked_sort3A_376, %and3A_396 : vector<16xi32>
      tpu.vector_store_idx %arg11[%shift_right_arithmetic3A_385], %and3A_397 masked %and3A_394 : memref<3136xi32, #tpu.memory_space<vmem>>[vector<16xi32>], vector<16xi32>, vector<16xi1>
    }
    %scan3A_22 = arith.constant 256 : i32
    %parallel_loop3A_23 = arith.constant 0 : i32
    %parallel_loop3A_24 = arith.constant 196 : i32
    %parallel_loop3A_25 = arith.constant 1 : i32
    scf.for %parallel_loop3A_184 = %parallel_loop3A_23 to %parallel_loop3A_24 step %parallel_loop3A_25  : i32 {
      %parallel_loop3A_185 = arith.constant 16 : i32
      %parallel_loop3A_186 = arith.muli %parallel_loop3A_184, %parallel_loop3A_185 : i32
      %parallel_loop3A_187 = arith.index_cast %parallel_loop3A_186 : i32 to index
      %parallel_loop3A_188 = tpu.vector_load %arg11[%parallel_loop3A_187] {strides = array<i32>} : memref<3136xi32, #tpu.memory_space<vmem>>, vector<16xi32>,
      %parallel_loop3A_189 = arith.constant 0 : i32
      %parallel_loop3A_190 = vector.broadcast %parallel_loop3A_189 : i32 to vector<16xi32>
      %parallel_loop3A_191 = arith.cmpi sge, %parallel_loop3A_188, %parallel_loop3A_190 : vector<16xi32>
      %parallel_loop3A_192 = arith.constant 1 : i32
      %parallel_loop3A_193 = arith.constant 0 : i32
      %parallel_loop3A_194 = vector.broadcast %parallel_loop3A_192 : i32 to vector<16xi32>
      %parallel_loop3A_195 = vector.broadcast %parallel_loop3A_193 : i32 to vector<16xi32>
      %parallel_loop3A_196 = arith.select %parallel_loop3A_191, %parallel_loop3A_194, %parallel_loop3A_195 : vector<16xi1>, vector<16xi32>
      %parallel_loop3A_197 = arith.constant 16 : i32
      %parallel_loop3A_198 = arith.muli %parallel_loop3A_184, %parallel_loop3A_197 : i32
      %parallel_loop3A_199 = arith.index_cast %parallel_loop3A_198 : i32 to index
      %parallel_loop3A_200 = tpu.vector_load %arg19[%parallel_loop3A_199] {strides = array<i32>} : memref<3136xi32, #tpu.memory_space<vmem>>, vector<16xi32>,
      tpu.vector_store %arg19[%parallel_loop3A_199], %parallel_loop3A_196 {strides = array<i32>} : memref<3136xi32, #tpu.memory_space<vmem>>, vector<16xi32>,
    } {sc.loop_unroll_factor = 4 : i64, sc.parallel_access}
    %lt3A = arith.constant 31 : i32
    %lt3A_26 = arith.cmpi slt, %add3A, %lt3A : i32
    %jit3A = arith.constant 3032 : i32
    %jit3A_27 = arith.constant 0 : i32
    %select_n3A = arith.select %lt3A_26, %jit3A, %jit3A_27 : i32
    %add3A_28 = arith.addi %mul3A_2, %select_n3A : i32
    %lt3A_29 = arith.constant 31 : i32
    %lt3A_30 = arith.cmpi slt, %add3A, %lt3A_29 : i32
    %jit3A_31 = arith.constant 3032 : i32
    %jit3A_32 = arith.constant 0 : i32
    %select_n3A_33 = arith.select %lt3A_30, %jit3A_31, %jit3A_32 : i32
    %dma_start3A_34 = arith.constant 0 : i32
    %dma_start3A_35 = tpu.memref_slice %arg19[%dma_start3A_34] : memref<3136xi32, #tpu.memory_space<vmem>> -> memref<3032xi32, #tpu.memory_space<vmem>>
    %dma_start3A_36 = tpu.memref_slice %arg8[%mul3A_2] : memref<100000xi32, #tpu.memory_space<hbm>> -> memref<3032xi32, #tpu.memory_space<hbm>>
    %dma_start3A_37 = tpu.memref_slice %arg8[%mul3A_2] : memref<100000xi32, #tpu.memory_space<hbm>> -> memref<3032xi32, #tpu.memory_space<hbm>>
    %dma_start3A_38 = arith.constant 0 : i32
    %dma_start3A_39 = tpu.memref_slice %arg19[%dma_start3A_38] : memref<3136xi32, #tpu.memory_space<vmem>> -> memref<3032xi32, #tpu.memory_space<vmem>>
    tpu.enqueue_dma source(%dma_start3A_39 : memref<3032xi32, #tpu.memory_space<vmem>>) target(%dma_start3A_37 : memref<3032xi32, #tpu.memory_space<hbm>>) target_semaphore(%arg25 : memref<!tpu.dma_semaphore, #tpu.memory_space<semaphore_mem>>)
    %dma_start3A_40 = tpu.memref_slice %arg19[%select_n3A_33] : memref<3136xi32, #tpu.memory_space<vmem>> -> memref<96xi32, #tpu.memory_space<vmem>>
    %dma_start3A_41 = tpu.memref_slice %arg8[%add3A_28] : memref<100000xi32, #tpu.memory_space<hbm>> -> memref<96xi32, #tpu.memory_space<hbm>>
    %dma_start3A_42 = tpu.memref_slice %arg8[%add3A_28] : memref<100000xi32, #tpu.memory_space<hbm>> -> memref<96xi32, #tpu.memory_space<hbm>>
    %dma_start3A_43 = tpu.memref_slice %arg19[%select_n3A_33] : memref<3136xi32, #tpu.memory_space<vmem>> -> memref<96xi32, #tpu.memory_space<vmem>>
    tpu.enqueue_dma source(%dma_start3A_43 : memref<96xi32, #tpu.memory_space<vmem>>) target(%dma_start3A_42 : memref<96xi32, #tpu.memory_space<hbm>>) target_semaphore(%arg26 : memref<!tpu.dma_semaphore, #tpu.memory_space<semaphore_mem>>)
    %scan3A_44 = arith.constant 0 : i32
    %scan3A_45 = arith.constant 0 : i32
    %scan3A_46 = arith.constant 196 : i32
    %scan3A_47 = arith.addi %scan3A_45, %scan3A_46 : i32
    %scan3A_48 = arith.constant 1 : i32
    %scan3A_49 = scf.for %scan3A_184 = %scan3A_45 to %scan3A_47 step %scan3A_48 iter_args(%scan3A_185 = %scan3A_44) -> (i32)  : i32 {
      %mul3A_186 = arith.constant 16 : i32
      %mul3A_187 = arith.muli %scan3A_184, %mul3A_186 : i32
      %get3A = arith.index_cast %mul3A_187 : i32 to index
      %get3A_188 = tpu.vector_load %arg11[%get3A] {strides = array<i32>} : memref<3136xi32, #tpu.memory_space<vmem>>, vector<16xi32>,
      %ge3A = arith.constant 0 : i32
      %ge3A_189 = vector.broadcast %ge3A : i32 to vector<16xi32>
      %ge3A_190 = arith.cmpi sge, %get3A_188, %ge3A_189 : vector<16xi32>
      %mul3A_191 = arith.constant 16 : i32
      %mul3A_192 = arith.muli %scan3A_184, %mul3A_191 : i32
      %add3A_193 = vector.broadcast %mul3A_192 : i32 to vector<16xi32>
      %add3A_194 = arith.addi %add3A_193, %iota3A : vector<16xi32>
      %add3A_195 = vector.broadcast %mul3A_2 : i32 to vector<16xi32>
      %add3A_196 = arith.addi %add3A_194, %add3A_195 : vector<16xi32>
      %jit3A_197 = arith.constant 1 : i32
      %jit3A_198 = arith.constant 0 : i32
      %broadcast_in_dim3A_199 = vector.broadcast %jit3A_197 : i32 to vector<16xi32>
      %broadcast_in_dim3A_200 = vector.broadcast %jit3A_198 : i32 to vector<16xi32>
      %select_n3A_201 = arith.select %ge3A_190, %broadcast_in_dim3A_199, %broadcast_in_dim3A_200 : vector<16xi1>, vector<16xi32>
      %broadcast_in_dim3A_202 = arith.constant true
      %broadcast_in_dim3A_203 = vector.broadcast %broadcast_in_dim3A_202 : i1 to vector<16xi1>
      %masked_cumsum3A = tpu.scan <sum>, %select_n3A_201 masked %broadcast_in_dim3A_203 : vector<16xi32>, vector<16xi1> -> vector<16xi32>
      %add3A_204 = vector.broadcast %scan3A_185 : i32 to vector<16xi32>
      %add3A_205 = arith.addi %add3A_204, %masked_cumsum3A : vector<16xi32>
      %sub3A_206 = arith.constant 1 : i32
      %sub3A_207 = vector.broadcast %sub3A_206 : i32 to vector<16xi32>
      %sub3A_208 = arith.subi %add3A_205, %sub3A_207 : vector<16xi32>
      %min3A_209 = arith.constant 3199 : i32
      %min3A_210 = vector.broadcast %min3A_209 : i32 to vector<16xi32>
      %min3A_211 = arith.minsi %sub3A_208, %min3A_210 : vector<16xi32>
      tpu.vector_store_idx %arg12[%min3A_211], %add3A_196 masked %ge3A_190 : memref<3200xi32, #tpu.memory_space<vmem>>[vector<16xi32>], vector<16xi32>, vector<16xi1>
      tpu.vector_store_idx %arg13[%min3A_211], %get3A_188 masked %ge3A_190 : memref<3200xi32, #tpu.memory_space<vmem>>[vector<16xi32>], vector<16xi32>, vector<16xi1>
      %slice3A = vector.extract_strided_slice %masked_cumsum3A {offsets = [15], sizes = [1], strides = [1]} : vector<16xi32> to vector<1xi32>
      %squeeze3A = vector.extract %slice3A[0] : i32 from vector<1xi32>
      %add3A_212 = arith.addi %scan3A_185, %squeeze3A : i32
      scf.yield %add3A_212 : i32
    }
    %scan3A_50 = arith.constant 196 : i32
    %neg3A = arith.constant 0 : i32
    %neg3A_51 = arith.subi %neg3A, %scan3A_49 : i32
    %jit3A_52 = arith.constant 128 : i32
    %eq3A_53 = arith.constant 0 : i32
    %eq3A_54 = arith.cmpi eq, %jit3A_52, %eq3A_53 : i32
    %jit3A_55 = arith.constant 1 : i32
    %select_n3A_56 = arith.select %eq3A_54, %jit3A_55, %jit3A_52 : i32
    %rem3A = arith.remsi %neg3A_51, %select_n3A_56 : i32
    %ne3A = arith.constant 0 : i32
    %ne3A_57 = arith.cmpi ne, %rem3A, %ne3A : i32
    %lt3A_58 = arith.constant 0 : i32
    %lt3A_59 = arith.cmpi slt, %rem3A, %lt3A_58 : i32
    %lt3A_60 = arith.constant 0 : i32
    %lt3A_61 = arith.cmpi slt, %select_n3A_56, %lt3A_60 : i32
    %ne3A_62 = arith.xori %lt3A_59, %lt3A_61 : i1
    %and3A_63 = arith.andi %ne3A_62, %ne3A_57 : i1
    %add3A_64 = arith.addi %rem3A, %select_n3A_56 : i32
    %select_n3A_65 = arith.select %and3A_63, %add3A_64, %rem3A : i32
    %add3A_66 = arith.addi %scan3A_49, %select_n3A_65 : i32
    %sub3A = arith.constant 1 : i32
    %sub3A_67 = arith.subi %scan3A_49, %sub3A : i32
    %max3A = arith.constant 0 : i32
    %max3A_68 = arith.maxsi %sub3A_67, %max3A : i32
    %broadcast_in_dim3A = vector.broadcast %max3A_68 : i32 to vector<16xi32>
    %gather3A = tpu.vector_load_idx %arg12[%broadcast_in_dim3A] : memref<3200xi32, #tpu.memory_space<vmem>>[vector<16xi32>], vector<16xi32>,
    %gather3A_69 = tpu.vector_load_idx %arg13[%broadcast_in_dim3A] : memref<3200xi32, #tpu.memory_space<vmem>>[vector<16xi32>], vector<16xi32>,
    %add3A_70 = arith.constant 0 : i32
    %add3A_71 = arith.addi %scan3A_49, %add3A_70 : i32
    %add3A_72 = vector.broadcast %add3A_71 : i32 to vector<16xi32>
    %add3A_73 = arith.addi %add3A_72, %iota3A : vector<16xi32>
    %lt3A_74 = vector.broadcast %add3A_66 : i32 to vector<16xi32>
    %lt3A_75 = arith.cmpi slt, %add3A_73, %lt3A_74 : vector<16xi32>
    %min3A_76 = arith.constant 3199 : i32
    %min3A_77 = vector.broadcast %min3A_76 : i32 to vector<16xi32>
    %min3A_78 = arith.minsi %add3A_73, %min3A_77 : vector<16xi32>
    tpu.vector_store_idx %arg12[%min3A_78], %gather3A masked %lt3A_75 : memref<3200xi32, #tpu.memory_space<vmem>>[vector<16xi32>], vector<16xi32>, vector<16xi1>
    tpu.vector_store_idx %arg13[%min3A_78], %gather3A_69 masked %lt3A_75 : memref<3200xi32, #tpu.memory_space<vmem>>[vector<16xi32>], vector<16xi32>, vector<16xi1>
    %add3A_79 = arith.constant 16 : i32
    %add3A_80 = arith.addi %scan3A_49, %add3A_79 : i32
    %add3A_81 = vector.broadcast %add3A_80 : i32 to vector<16xi32>
    %add3A_82 = arith.addi %add3A_81, %iota3A : vector<16xi32>
    %lt3A_83 = vector.broadcast %add3A_66 : i32 to vector<16xi32>
    %lt3A_84 = arith.cmpi slt, %add3A_82, %lt3A_83 : vector<16xi32>
    %min3A_85 = arith.constant 3199 : i32
    %min3A_86 = vector.broadcast %min3A_85 : i32 to vector<16xi32>
    %min3A_87 = arith.minsi %add3A_82, %min3A_86 : vector<16xi32>
    tpu.vector_store_idx %arg12[%min3A_87], %gather3A masked %lt3A_84 : memref<3200xi32, #tpu.memory_space<vmem>>[vector<16xi32>], vector<16xi32>, vector<16xi1>
    tpu.vector_store_idx %arg13[%min3A_87], %gather3A_69 masked %lt3A_84 : memref<3200xi32, #tpu.memory_space<vmem>>[vector<16xi32>], vector<16xi32>, vector<16xi1>
    %add3A_88 = arith.constant 32 : i32
    %add3A_89 = arith.addi %scan3A_49, %add3A_88 : i32
    %add3A_90 = vector.broadcast %add3A_89 : i32 to vector<16xi32>
    %add3A_91 = arith.addi %add3A_90, %iota3A : vector<16xi32>
    %lt3A_92 = vector.broadcast %add3A_66 : i32 to vector<16xi32>
    %lt3A_93 = arith.cmpi slt, %add3A_91, %lt3A_92 : vector<16xi32>
    %min3A_94 = arith.constant 3199 : i32
    %min3A_95 = vector.broadcast %min3A_94 : i32 to vector<16xi32>
    %min3A_96 = arith.minsi %add3A_91, %min3A_95 : vector<16xi32>
    tpu.vector_store_idx %arg12[%min3A_96], %gather3A masked %lt3A_93 : memref<3200xi32, #tpu.memory_space<vmem>>[vector<16xi32>], vector<16xi32>, vector<16xi1>
    tpu.vector_store_idx %arg13[%min3A_96], %gather3A_69 masked %lt3A_93 : memref<3200xi32, #tpu.memory_space<vmem>>[vector<16xi32>], vector<16xi32>, vector<16xi1>
    %add3A_97 = arith.constant 48 : i32
    %add3A_98 = arith.addi %scan3A_49, %add3A_97 : i32
    %add3A_99 = vector.broadcast %add3A_98 : i32 to vector<16xi32>
    %add3A_100 = arith.addi %add3A_99, %iota3A : vector<16xi32>
    %lt3A_101 = vector.broadcast %add3A_66 : i32 to vector<16xi32>
    %lt3A_102 = arith.cmpi slt, %add3A_100, %lt3A_101 : vector<16xi32>
    %min3A_103 = arith.constant 3199 : i32
    %min3A_104 = vector.broadcast %min3A_103 : i32 to vector<16xi32>
    %min3A_105 = arith.minsi %add3A_100, %min3A_104 : vector<16xi32>
    tpu.vector_store_idx %arg12[%min3A_105], %gather3A masked %lt3A_102 : memref<3200xi32, #tpu.memory_space<vmem>>[vector<16xi32>], vector<16xi32>, vector<16xi1>
    tpu.vector_store_idx %arg13[%min3A_105], %gather3A_69 masked %lt3A_102 : memref<3200xi32, #tpu.memory_space<vmem>>[vector<16xi32>], vector<16xi32>, vector<16xi1>
    %add3A_106 = arith.constant 64 : i32
    %add3A_107 = arith.addi %scan3A_49, %add3A_106 : i32
    %add3A_108 = vector.broadcast %add3A_107 : i32 to vector<16xi32>
    %add3A_109 = arith.addi %add3A_108, %iota3A : vector<16xi32>
    %lt3A_110 = vector.broadcast %add3A_66 : i32 to vector<16xi32>
    %lt3A_111 = arith.cmpi slt, %add3A_109, %lt3A_110 : vector<16xi32>
    %min3A_112 = arith.constant 3199 : i32
    %min3A_113 = vector.broadcast %min3A_112 : i32 to vector<16xi32>
    %min3A_114 = arith.minsi %add3A_109, %min3A_113 : vector<16xi32>
    tpu.vector_store_idx %arg12[%min3A_114], %gather3A masked %lt3A_111 : memref<3200xi32, #tpu.memory_space<vmem>>[vector<16xi32>], vector<16xi32>, vector<16xi1>
    tpu.vector_store_idx %arg13[%min3A_114], %gather3A_69 masked %lt3A_111 : memref<3200xi32, #tpu.memory_space<vmem>>[vector<16xi32>], vector<16xi32>, vector<16xi1>
    %add3A_115 = arith.constant 80 : i32
    %add3A_116 = arith.addi %scan3A_49, %add3A_115 : i32
    %add3A_117 = vector.broadcast %add3A_116 : i32 to vector<16xi32>
    %add3A_118 = arith.addi %add3A_117, %iota3A : vector<16xi32>
    %lt3A_119 = vector.broadcast %add3A_66 : i32 to vector<16xi32>
    %lt3A_120 = arith.cmpi slt, %add3A_118, %lt3A_119 : vector<16xi32>
    %min3A_121 = arith.constant 3199 : i32
    %min3A_122 = vector.broadcast %min3A_121 : i32 to vector<16xi32>
    %min3A_123 = arith.minsi %add3A_118, %min3A_122 : vector<16xi32>
    tpu.vector_store_idx %arg12[%min3A_123], %gather3A masked %lt3A_120 : memref<3200xi32, #tpu.memory_space<vmem>>[vector<16xi32>], vector<16xi32>, vector<16xi1>
    tpu.vector_store_idx %arg13[%min3A_123], %gather3A_69 masked %lt3A_120 : memref<3200xi32, #tpu.memory_space<vmem>>[vector<16xi32>], vector<16xi32>, vector<16xi1>
    %add3A_124 = arith.constant 96 : i32
    %add3A_125 = arith.addi %scan3A_49, %add3A_124 : i32
    %add3A_126 = vector.broadcast %add3A_125 : i32 to vector<16xi32>
    %add3A_127 = arith.addi %add3A_126, %iota3A : vector<16xi32>
    %lt3A_128 = vector.broadcast %add3A_66 : i32 to vector<16xi32>
    %lt3A_129 = arith.cmpi slt, %add3A_127, %lt3A_128 : vector<16xi32>
    %min3A_130 = arith.constant 3199 : i32
    %min3A_131 = vector.broadcast %min3A_130 : i32 to vector<16xi32>
    %min3A_132 = arith.minsi %add3A_127, %min3A_131 : vector<16xi32>
    tpu.vector_store_idx %arg12[%min3A_132], %gather3A masked %lt3A_129 : memref<3200xi32, #tpu.memory_space<vmem>>[vector<16xi32>], vector<16xi32>, vector<16xi1>
    tpu.vector_store_idx %arg13[%min3A_132], %gather3A_69 masked %lt3A_129 : memref<3200xi32, #tpu.memory_space<vmem>>[vector<16xi32>], vector<16xi32>, vector<16xi1>
    %add3A_133 = arith.constant 112 : i32
    %add3A_134 = arith.addi %scan3A_49, %add3A_133 : i32
    %add3A_135 = vector.broadcast %add3A_134 : i32 to vector<16xi32>
    %add3A_136 = arith.addi %add3A_135, %iota3A : vector<16xi32>
    %lt3A_137 = vector.broadcast %add3A_66 : i32 to vector<16xi32>
    %lt3A_138 = arith.cmpi slt, %add3A_136, %lt3A_137 : vector<16xi32>
    %min3A_139 = arith.constant 3199 : i32
    %min3A_140 = vector.broadcast %min3A_139 : i32 to vector<16xi32>
    %min3A_141 = arith.minsi %add3A_136, %min3A_140 : vector<16xi32>
    tpu.vector_store_idx %arg12[%min3A_141], %gather3A masked %lt3A_138 : memref<3200xi32, #tpu.memory_space<vmem>>[vector<16xi32>], vector<16xi32>, vector<16xi1>
    tpu.vector_store_idx %arg13[%min3A_141], %gather3A_69 masked %lt3A_138 : memref<3200xi32, #tpu.memory_space<vmem>>[vector<16xi32>], vector<16xi32>, vector<16xi1>
    tpu.wait_dma2 semaphore(%arg21 : memref<!tpu.dma_semaphore, #tpu.memory_space<semaphore_mem>>) src(%arg6 : memref<16384xf32, #tpu.memory_space<hbm>>) dst(%arg10 : memref<16384xf32, #tpu.memory_space<vmem>>)
    %dma_wait3A = tpu.memref_slice %arg3[%min3A_7] : memref<100000xf32, #tpu.memory_space<hbm>> -> memref<3136xf32, #tpu.memory_space<hbm>>
    %dma_wait3A_142 = tpu.memref_slice %arg3[%min3A_7] : memref<100000xf32, #tpu.memory_space<hbm>> -> memref<3136xf32, #tpu.memory_space<hbm>>
    tpu.wait_dma2 semaphore(%arg22 : memref<!tpu.dma_semaphore, #tpu.memory_space<semaphore_mem>>) src(%dma_wait3A_142 : memref<3136xf32, #tpu.memory_space<hbm>>) dst(%arg14 : memref<3136xf32, #tpu.memory_space<vmem>>)
    %jit3A_143 = arith.constant 128 : i32
    %div3A = arith.divsi %add3A_66, %jit3A_143 : i32
    %sign3A = arith.constant 0 : i32
    %sign3A_144 = arith.cmpi sgt, %add3A_66, %sign3A : i32
    %sign3A_145 = arith.extui %sign3A_144 : i1 to i32
    %sign3A_146 = arith.constant 0 : i32
    %sign3A_147 = arith.cmpi slt, %add3A_66, %sign3A_146 : i32
    %sign3A_148 = arith.extui %sign3A_147 : i1 to i32
    %sign3A_149 = arith.subi %sign3A_145, %sign3A_148 : i32
    %sign3A_150 = arith.constant 0 : i32
    %sign3A_151 = arith.cmpi sgt, %jit3A_143, %sign3A_150 : i32
    %sign3A_152 = arith.extui %sign3A_151 : i1 to i32
    %sign3A_153 = arith.constant 0 : i32
    %sign3A_154 = arith.cmpi slt, %jit3A_143, %sign3A_153 : i32
    %sign3A_155 = arith.extui %sign3A_154 : i1 to i32
    %sign3A_156 = arith.subi %sign3A_152, %sign3A_155 : i32
    %ne3A_157 = arith.cmpi ne, %sign3A_149, %sign3A_156 : i32
    %rem3A_158 = arith.remsi %add3A_66, %jit3A_143 : i32
    %ne3A_159 = arith.constant 0 : i32
    %ne3A_160 = arith.cmpi ne, %rem3A_158, %ne3A_159 : i32
    %and3A_161 = arith.andi %ne3A_157, %ne3A_160 : i1
    %sub3A_162 = arith.constant 1 : i32
    %sub3A_163 = arith.subi %div3A, %sub3A_162 : i32
    %select_n3A_164 = arith.select %and3A_161, %sub3A_163, %div3A : i32
    %while3A = arith.constant 0 : i32
    %while3A_165 = arith.constant 0 : i32
    %while3A_166 = arith.subi %select_n3A_164, %while3A_165 : i32
    %while3A_167 = arith.addi %while3A_165, %while3A_166 : i32
    %while3A_168 = arith.constant 1 : i32
    %while3A_169 = arith.divsi %while3A_166, %while3A_168 : i32
    %while3A_170 = arith.muli %while3A_169, %while3A_168 : i32
    %while3A_171 = arith.addi %while3A_165, %while3A_170 : i32
    %while3A_172 = arith.constant 1 : i32
    scf.for %while3A_184 = %while3A_165 to %while3A_171 step %while3A_172  : i32 {
      %mul3A_185 = arith.constant 128 : i32
      %mul3A_186 = arith.muli %while3A_184, %mul3A_185 : i32
      %dma_start3A_187 = tpu.memref_slice %arg13[%mul3A_186] : memref<3200xi32, #tpu.memory_space<vmem>> -> memref<128xi32, #tpu.memory_space<vmem>>
      %dma_start3A_188 = arith.constant 0 : i32
      %dma_start3A_189 = arith.constant 0 : i32
      %dma_start3A_190 = tpu.memref_slice %arg5[%dma_start3A_188, %dma_start3A_189] : memref<16384x128xf32, #tpu.memory_space<hbm>> -> memref<16384x128xf32, #tpu.memory_space<hbm>>
      tpu.enqueue_indirect_dma source(%dma_start3A_190 : memref<16384x128xf32, #tpu.memory_space<hbm>>) target(%arg16 : memref<128x128xf32, #tpu.memory_space<vmem>>) offsets(%dma_start3A_187 : memref<128xi32, #tpu.memory_space<vmem>>) semaphore(%arg23 : memref<!tpu.dma_semaphore, #tpu.memory_space<semaphore_mem>>)
      %dma_start3A_191 = tpu.memref_slice %arg12[%mul3A_186] : memref<3200xi32, #tpu.memory_space<vmem>> -> memref<128xi32, #tpu.memory_space<vmem>>
      %dma_start3A_192 = arith.constant 0 : i32
      %dma_start3A_193 = arith.constant 0 : i32
      %dma_start3A_194 = tpu.memref_slice %arg2[%dma_start3A_192, %dma_start3A_193] : memref<100000x128xf32, #tpu.memory_space<hbm>> -> memref<100000x128xf32, #tpu.memory_space<hbm>>
      tpu.enqueue_indirect_dma source(%dma_start3A_194 : memref<100000x128xf32, #tpu.memory_space<hbm>>) target(%arg17 : memref<128x128xf32, #tpu.memory_space<vmem>>) offsets(%dma_start3A_191 : memref<128xi32, #tpu.memory_space<vmem>>) semaphore(%arg24 : memref<!tpu.dma_semaphore, #tpu.memory_space<semaphore_mem>>)
      %add3A_195 = arith.constant 0 : i32
      %add3A_196 = arith.addi %mul3A_186, %add3A_195 : i32
      %get3A = arith.index_cast %add3A_196 : i32 to index
      %get3A_197 = tpu.vector_load %arg13[%get3A] {strides = array<i32>} : memref<3200xi32, #tpu.memory_space<vmem>>, vector<16xi32>,
      %add3A_198 = arith.constant 0 : i32
      %add3A_199 = arith.addi %mul3A_186, %add3A_198 : i32
      %get3A_200 = arith.index_cast %add3A_199 : i32 to index
      %get3A_201 = tpu.vector_load %arg12[%get3A_200] {strides = array<i32>} : memref<3200xi32, #tpu.memory_space<vmem>>, vector<16xi32>,
      %gather3A_202 = tpu.vector_load_idx %arg10[%get3A_197] : memref<16384xf32, #tpu.memory_space<vmem>>[vector<16xi32>], vector<16xf32>,
      %sub3A_203 = vector.broadcast %min3A_7 : i32 to vector<16xi32>
      %sub3A_204 = arith.subi %get3A_201, %sub3A_203 : vector<16xi32>
      %gather3A_205 = tpu.vector_load_idx %arg14[%sub3A_204] : memref<3136xf32, #tpu.memory_space<vmem>>[vector<16xi32>], vector<16xf32>,
      %sub3A_206 = arith.subf %gather3A_202, %gather3A_205 : vector<16xf32>
      %max3A_207 = arith.constant 0.000000e+00 : f32
      %max3A_208 = vector.broadcast %max3A_207 : f32 to vector<16xf32>
      %max3A_209 = arith.maximumf %sub3A_206, %max3A_208 : vector<16xf32>
      %mul3A_210 = arith.constant -0.0173286796 : f32
      %mul3A_211 = vector.broadcast %mul3A_210 : f32 to vector<16xf32>
      %mul3A_212 = arith.mulf %max3A_209, %mul3A_211 : vector<16xf32>
      %exp3A = math.exp %mul3A_212 : vector<16xf32>
      %swap3A = arith.constant 0 : index
      %swap3A_213 = tpu.vector_load %arg15[%swap3A] {strides = array<i32>} : memref<128xf32, #tpu.memory_space<vmem>>, vector<16xf32>,
      tpu.vector_store %arg15[%swap3A], %exp3A {strides = array<i32>} : memref<128xf32, #tpu.memory_space<vmem>>, vector<16xf32>,
      %add3A_214 = arith.constant 16 : i32
      %add3A_215 = arith.addi %mul3A_186, %add3A_214 : i32
      %get3A_216 = arith.index_cast %add3A_215 : i32 to index
      %get3A_217 = tpu.vector_load %arg13[%get3A_216] {strides = array<i32>} : memref<3200xi32, #tpu.memory_space<vmem>>, vector<16xi32>,
      %add3A_218 = arith.constant 16 : i32
      %add3A_219 = arith.addi %mul3A_186, %add3A_218 : i32
      %get3A_220 = arith.index_cast %add3A_219 : i32 to index
      %get3A_221 = tpu.vector_load %arg12[%get3A_220] {strides = array<i32>} : memref<3200xi32, #tpu.memory_space<vmem>>, vector<16xi32>,
      %gather3A_222 = tpu.vector_load_idx %arg10[%get3A_217] : memref<16384xf32, #tpu.memory_space<vmem>>[vector<16xi32>], vector<16xf32>,
      %sub3A_223 = vector.broadcast %min3A_7 : i32 to vector<16xi32>
      %sub3A_224 = arith.subi %get3A_221, %sub3A_223 : vector<16xi32>
      %gather3A_225 = tpu.vector_load_idx %arg14[%sub3A_224] : memref<3136xf32, #tpu.memory_space<vmem>>[vector<16xi32>], vector<16xf32>,
      %sub3A_226 = arith.subf %gather3A_222, %gather3A_225 : vector<16xf32>
      %max3A_227 = arith.constant 0.000000e+00 : f32
      %max3A_228 = vector.broadcast %max3A_227 : f32 to vector<16xf32>
      %max3A_229 = arith.maximumf %sub3A_226, %max3A_228 : vector<16xf32>
      %mul3A_230 = arith.constant -0.0173286796 : f32
      %mul3A_231 = vector.broadcast %mul3A_230 : f32 to vector<16xf32>
      %mul3A_232 = arith.mulf %max3A_229, %mul3A_231 : vector<16xf32>
      %exp3A_233 = math.exp %mul3A_232 : vector<16xf32>
      %swap3A_234 = arith.constant 16 : index
      %swap3A_235 = tpu.vector_load %arg15[%swap3A_234] {strides = array<i32>} : memref<128xf32, #tpu.memory_space<vmem>>, vector<16xf32>,
      tpu.vector_store %arg15[%swap3A_234], %exp3A_233 {strides = array<i32>} : memref<128xf32, #tpu.memory_space<vmem>>, vector<16xf32>,
      %add3A_236 = arith.constant 32 : i32
      %add3A_237 = arith.addi %mul3A_186, %add3A_236 : i32
      %get3A_238 = arith.index_cast %add3A_237 : i32 to index
      %get3A_239 = tpu.vector_load %arg13[%get3A_238] {strides = array<i32>} : memref<3200xi32, #tpu.memory_space<vmem>>, vector<16xi32>,
      %add3A_240 = arith.constant 32 : i32
      %add3A_241 = arith.addi %mul3A_186, %add3A_240 : i32
      %get3A_242 = arith.index_cast %add3A_241 : i32 to index
      %get3A_243 = tpu.vector_load %arg12[%get3A_242] {strides = array<i32>} : memref<3200xi32, #tpu.memory_space<vmem>>, vector<16xi32>,
      %gather3A_244 = tpu.vector_load_idx %arg10[%get3A_239] : memref<16384xf32, #tpu.memory_space<vmem>>[vector<16xi32>], vector<16xf32>,
      %sub3A_245 = vector.broadcast %min3A_7 : i32 to vector<16xi32>
      %sub3A_246 = arith.subi %get3A_243, %sub3A_245 : vector<16xi32>
      %gather3A_247 = tpu.vector_load_idx %arg14[%sub3A_246] : memref<3136xf32, #tpu.memory_space<vmem>>[vector<16xi32>], vector<16xf32>,
      %sub3A_248 = arith.subf %gather3A_244, %gather3A_247 : vector<16xf32>
      %max3A_249 = arith.constant 0.000000e+00 : f32
      %max3A_250 = vector.broadcast %max3A_249 : f32 to vector<16xf32>
      %max3A_251 = arith.maximumf %sub3A_248, %max3A_250 : vector<16xf32>
      %mul3A_252 = arith.constant -0.0173286796 : f32
      %mul3A_253 = vector.broadcast %mul3A_252 : f32 to vector<16xf32>
      %mul3A_254 = arith.mulf %max3A_251, %mul3A_253 : vector<16xf32>
      %exp3A_255 = math.exp %mul3A_254 : vector<16xf32>
      %swap3A_256 = arith.constant 32 : index
      %swap3A_257 = tpu.vector_load %arg15[%swap3A_256] {strides = array<i32>} : memref<128xf32, #tpu.memory_space<vmem>>, vector<16xf32>,
      tpu.vector_store %arg15[%swap3A_256], %exp3A_255 {strides = array<i32>} : memref<128xf32, #tpu.memory_space<vmem>>, vector<16xf32>,
      %add3A_258 = arith.constant 48 : i32
      %add3A_259 = arith.addi %mul3A_186, %add3A_258 : i32
      %get3A_260 = arith.index_cast %add3A_259 : i32 to index
      %get3A_261 = tpu.vector_load %arg13[%get3A_260] {strides = array<i32>} : memref<3200xi32, #tpu.memory_space<vmem>>, vector<16xi32>,
      %add3A_262 = arith.constant 48 : i32
      %add3A_263 = arith.addi %mul3A_186, %add3A_262 : i32
      %get3A_264 = arith.index_cast %add3A_263 : i32 to index
      %get3A_265 = tpu.vector_load %arg12[%get3A_264] {strides = array<i32>} : memref<3200xi32, #tpu.memory_space<vmem>>, vector<16xi32>,
      %gather3A_266 = tpu.vector_load_idx %arg10[%get3A_261] : memref<16384xf32, #tpu.memory_space<vmem>>[vector<16xi32>], vector<16xf32>,
      %sub3A_267 = vector.broadcast %min3A_7 : i32 to vector<16xi32>
      %sub3A_268 = arith.subi %get3A_265, %sub3A_267 : vector<16xi32>
      %gather3A_269 = tpu.vector_load_idx %arg14[%sub3A_268] : memref<3136xf32, #tpu.memory_space<vmem>>[vector<16xi32>], vector<16xf32>,
      %sub3A_270 = arith.subf %gather3A_266, %gather3A_269 : vector<16xf32>
      %max3A_271 = arith.constant 0.000000e+00 : f32
      %max3A_272 = vector.broadcast %max3A_271 : f32 to vector<16xf32>
      %max3A_273 = arith.maximumf %sub3A_270, %max3A_272 : vector<16xf32>
      %mul3A_274 = arith.constant -0.0173286796 : f32
      %mul3A_275 = vector.broadcast %mul3A_274 : f32 to vector<16xf32>
      %mul3A_276 = arith.mulf %max3A_273, %mul3A_275 : vector<16xf32>
      %exp3A_277 = math.exp %mul3A_276 : vector<16xf32>
      %swap3A_278 = arith.constant 48 : index
      %swap3A_279 = tpu.vector_load %arg15[%swap3A_278] {strides = array<i32>} : memref<128xf32, #tpu.memory_space<vmem>>, vector<16xf32>,
      tpu.vector_store %arg15[%swap3A_278], %exp3A_277 {strides = array<i32>} : memref<128xf32, #tpu.memory_space<vmem>>, vector<16xf32>,
      %add3A_280 = arith.constant 64 : i32
      %add3A_281 = arith.addi %mul3A_186, %add3A_280 : i32
      %get3A_282 = arith.index_cast %add3A_281 : i32 to index
      %get3A_283 = tpu.vector_load %arg13[%get3A_282] {strides = array<i32>} : memref<3200xi32, #tpu.memory_space<vmem>>, vector<16xi32>,
      %add3A_284 = arith.constant 64 : i32
      %add3A_285 = arith.addi %mul3A_186, %add3A_284 : i32
      %get3A_286 = arith.index_cast %add3A_285 : i32 to index
      %get3A_287 = tpu.vector_load %arg12[%get3A_286] {strides = array<i32>} : memref<3200xi32, #tpu.memory_space<vmem>>, vector<16xi32>,
      %gather3A_288 = tpu.vector_load_idx %arg10[%get3A_283] : memref<16384xf32, #tpu.memory_space<vmem>>[vector<16xi32>], vector<16xf32>,
      %sub3A_289 = vector.broadcast %min3A_7 : i32 to vector<16xi32>
      %sub3A_290 = arith.subi %get3A_287, %sub3A_289 : vector<16xi32>
      %gather3A_291 = tpu.vector_load_idx %arg14[%sub3A_290] : memref<3136xf32, #tpu.memory_space<vmem>>[vector<16xi32>], vector<16xf32>,
      %sub3A_292 = arith.subf %gather3A_288, %gather3A_291 : vector<16xf32>
      %max3A_293 = arith.constant 0.000000e+00 : f32
      %max3A_294 = vector.broadcast %max3A_293 : f32 to vector<16xf32>
      %max3A_295 = arith.maximumf %sub3A_292, %max3A_294 : vector<16xf32>
      %mul3A_296 = arith.constant -0.0173286796 : f32
      %mul3A_297 = vector.broadcast %mul3A_296 : f32 to vector<16xf32>
      %mul3A_298 = arith.mulf %max3A_295, %mul3A_297 : vector<16xf32>
      %exp3A_299 = math.exp %mul3A_298 : vector<16xf32>
      %swap3A_300 = arith.constant 64 : index
      %swap3A_301 = tpu.vector_load %arg15[%swap3A_300] {strides = array<i32>} : memref<128xf32, #tpu.memory_space<vmem>>, vector<16xf32>,
      tpu.vector_store %arg15[%swap3A_300], %exp3A_299 {strides = array<i32>} : memref<128xf32, #tpu.memory_space<vmem>>, vector<16xf32>,
      %add3A_302 = arith.constant 80 : i32
      %add3A_303 = arith.addi %mul3A_186, %add3A_302 : i32
      %get3A_304 = arith.index_cast %add3A_303 : i32 to index
      %get3A_305 = tpu.vector_load %arg13[%get3A_304] {strides = array<i32>} : memref<3200xi32, #tpu.memory_space<vmem>>, vector<16xi32>,
      %add3A_306 = arith.constant 80 : i32
      %add3A_307 = arith.addi %mul3A_186, %add3A_306 : i32
      %get3A_308 = arith.index_cast %add3A_307 : i32 to index
      %get3A_309 = tpu.vector_load %arg12[%get3A_308] {strides = array<i32>} : memref<3200xi32, #tpu.memory_space<vmem>>, vector<16xi32>,
      %gather3A_310 = tpu.vector_load_idx %arg10[%get3A_305] : memref<16384xf32, #tpu.memory_space<vmem>>[vector<16xi32>], vector<16xf32>,
      %sub3A_311 = vector.broadcast %min3A_7 : i32 to vector<16xi32>
      %sub3A_312 = arith.subi %get3A_309, %sub3A_311 : vector<16xi32>
      %gather3A_313 = tpu.vector_load_idx %arg14[%sub3A_312] : memref<3136xf32, #tpu.memory_space<vmem>>[vector<16xi32>], vector<16xf32>,
      %sub3A_314 = arith.subf %gather3A_310, %gather3A_313 : vector<16xf32>
      %max3A_315 = arith.constant 0.000000e+00 : f32
      %max3A_316 = vector.broadcast %max3A_315 : f32 to vector<16xf32>
      %max3A_317 = arith.maximumf %sub3A_314, %max3A_316 : vector<16xf32>
      %mul3A_318 = arith.constant -0.0173286796 : f32
      %mul3A_319 = vector.broadcast %mul3A_318 : f32 to vector<16xf32>
      %mul3A_320 = arith.mulf %max3A_317, %mul3A_319 : vector<16xf32>
      %exp3A_321 = math.exp %mul3A_320 : vector<16xf32>
      %swap3A_322 = arith.constant 80 : index
      %swap3A_323 = tpu.vector_load %arg15[%swap3A_322] {strides = array<i32>} : memref<128xf32, #tpu.memory_space<vmem>>, vector<16xf32>,
      tpu.vector_store %arg15[%swap3A_322], %exp3A_321 {strides = array<i32>} : memref<128xf32, #tpu.memory_space<vmem>>, vector<16xf32>,
      %add3A_324 = arith.constant 96 : i32
      %add3A_325 = arith.addi %mul3A_186, %add3A_324 : i32
      %get3A_326 = arith.index_cast %add3A_325 : i32 to index
      %get3A_327 = tpu.vector_load %arg13[%get3A_326] {strides = array<i32>} : memref<3200xi32, #tpu.memory_space<vmem>>, vector<16xi32>,
      %add3A_328 = arith.constant 96 : i32
      %add3A_329 = arith.addi %mul3A_186, %add3A_328 : i32
      %get3A_330 = arith.index_cast %add3A_329 : i32 to index
      %get3A_331 = tpu.vector_load %arg12[%get3A_330] {strides = array<i32>} : memref<3200xi32, #tpu.memory_space<vmem>>, vector<16xi32>,
      %gather3A_332 = tpu.vector_load_idx %arg10[%get3A_327] : memref<16384xf32, #tpu.memory_space<vmem>>[vector<16xi32>], vector<16xf32>,
      %sub3A_333 = vector.broadcast %min3A_7 : i32 to vector<16xi32>
      %sub3A_334 = arith.subi %get3A_331, %sub3A_333 : vector<16xi32>
      %gather3A_335 = tpu.vector_load_idx %arg14[%sub3A_334] : memref<3136xf32, #tpu.memory_space<vmem>>[vector<16xi32>], vector<16xf32>,
      %sub3A_336 = arith.subf %gather3A_332, %gather3A_335 : vector<16xf32>
      %max3A_337 = arith.constant 0.000000e+00 : f32
      %max3A_338 = vector.broadcast %max3A_337 : f32 to vector<16xf32>
      %max3A_339 = arith.maximumf %sub3A_336, %max3A_338 : vector<16xf32>
      %mul3A_340 = arith.constant -0.0173286796 : f32
      %mul3A_341 = vector.broadcast %mul3A_340 : f32 to vector<16xf32>
      %mul3A_342 = arith.mulf %max3A_339, %mul3A_341 : vector<16xf32>
      %exp3A_343 = math.exp %mul3A_342 : vector<16xf32>
      %swap3A_344 = arith.constant 96 : index
      %swap3A_345 = tpu.vector_load %arg15[%swap3A_344] {strides = array<i32>} : memref<128xf32, #tpu.memory_space<vmem>>, vector<16xf32>,
      tpu.vector_store %arg15[%swap3A_344], %exp3A_343 {strides = array<i32>} : memref<128xf32, #tpu.memory_space<vmem>>, vector<16xf32>,
      %add3A_346 = arith.constant 112 : i32
      %add3A_347 = arith.addi %mul3A_186, %add3A_346 : i32
      %get3A_348 = arith.index_cast %add3A_347 : i32 to index
      %get3A_349 = tpu.vector_load %arg13[%get3A_348] {strides = array<i32>} : memref<3200xi32, #tpu.memory_space<vmem>>, vector<16xi32>,
      %add3A_350 = arith.constant 112 : i32
      %add3A_351 = arith.addi %mul3A_186, %add3A_350 : i32
      %get3A_352 = arith.index_cast %add3A_351 : i32 to index
      %get3A_353 = tpu.vector_load %arg12[%get3A_352] {strides = array<i32>} : memref<3200xi32, #tpu.memory_space<vmem>>, vector<16xi32>,
      %gather3A_354 = tpu.vector_load_idx %arg10[%get3A_349] : memref<16384xf32, #tpu.memory_space<vmem>>[vector<16xi32>], vector<16xf32>,
      %sub3A_355 = vector.broadcast %min3A_7 : i32 to vector<16xi32>
      %sub3A_356 = arith.subi %get3A_353, %sub3A_355 : vector<16xi32>
      %gather3A_357 = tpu.vector_load_idx %arg14[%sub3A_356] : memref<3136xf32, #tpu.memory_space<vmem>>[vector<16xi32>], vector<16xf32>,
      %sub3A_358 = arith.subf %gather3A_354, %gather3A_357 : vector<16xf32>
      %max3A_359 = arith.constant 0.000000e+00 : f32
      %max3A_360 = vector.broadcast %max3A_359 : f32 to vector<16xf32>
      %max3A_361 = arith.maximumf %sub3A_358, %max3A_360 : vector<16xf32>
      %mul3A_362 = arith.constant -0.0173286796 : f32
      %mul3A_363 = vector.broadcast %mul3A_362 : f32 to vector<16xf32>
      %mul3A_364 = arith.mulf %max3A_361, %mul3A_363 : vector<16xf32>
      %exp3A_365 = math.exp %mul3A_364 : vector<16xf32>
      %swap3A_366 = arith.constant 112 : index
      %swap3A_367 = tpu.vector_load %arg15[%swap3A_366] {strides = array<i32>} : memref<128xf32, #tpu.memory_space<vmem>>, vector<16xf32>,
      tpu.vector_store %arg15[%swap3A_366], %exp3A_365 {strides = array<i32>} : memref<128xf32, #tpu.memory_space<vmem>>, vector<16xf32>,
      %dma_wait3A_368 = tpu.memref_slice %arg13[%mul3A_186] : memref<3200xi32, #tpu.memory_space<vmem>> -> memref<128xi32, #tpu.memory_space<vmem>>
      %dma_wait3A_369 = arith.constant 0 : i32
      %dma_wait3A_370 = arith.constant 0 : i32
      %dma_wait3A_371 = tpu.memref_slice %arg5[%dma_wait3A_369, %dma_wait3A_370] : memref<16384x128xf32, #tpu.memory_space<hbm>> -> memref<16384x128xf32, #tpu.memory_space<hbm>>
      tpu.wait_indirect_dma semaphore(%arg23 : memref<!tpu.dma_semaphore, #tpu.memory_space<semaphore_mem>>) src(%dma_wait3A_371 : memref<16384x128xf32, #tpu.memory_space<hbm>>) dst(%arg16 : memref<128x128xf32, #tpu.memory_space<vmem>>)
      %dma_wait3A_372 = tpu.memref_slice %arg12[%mul3A_186] : memref<3200xi32, #tpu.memory_space<vmem>> -> memref<128xi32, #tpu.memory_space<vmem>>
      %dma_wait3A_373 = arith.constant 0 : i32
      %dma_wait3A_374 = arith.constant 0 : i32
      %dma_wait3A_375 = tpu.memref_slice %arg2[%dma_wait3A_373, %dma_wait3A_374] : memref<100000x128xf32, #tpu.memory_space<hbm>> -> memref<100000x128xf32, #tpu.memory_space<hbm>>
      tpu.wait_indirect_dma semaphore(%arg24 : memref<!tpu.dma_semaphore, #tpu.memory_space<semaphore_mem>>) src(%dma_wait3A_375 : memref<100000x128xf32, #tpu.memory_space<hbm>>) dst(%arg17 : memref<128x128xf32, #tpu.memory_space<vmem>>)
      %parallel_loop3A_376 = arith.constant 0 : i32
      %parallel_loop3A_377 = arith.constant 128 : i32
      %parallel_loop3A_378 = arith.constant 1 : i32
      scf.for %parallel_loop3A_379 = %parallel_loop3A_376 to %parallel_loop3A_377 step %parallel_loop3A_378  : i32 {
        %parallel_loop3A_380 = vector.broadcast %parallel_loop3A_379 : i32 to vector<16xi32>
        %parallel_loop3A_381 = tpu.vector_load_idx %arg15[%parallel_loop3A_380] : memref<128xf32, #tpu.memory_space<vmem>>[vector<16xi32>], vector<16xf32>,
        %parallel_loop3A_382 = arith.index_cast %parallel_loop3A_379 : i32 to index
        %parallel_loop3A_383 = arith.constant 0 : index
        %parallel_loop3A_384 = tpu.vector_load %arg17[%parallel_loop3A_382, %parallel_loop3A_383] {strides = array<i32>} : memref<128x128xf32, #tpu.memory_space<vmem>>, vector<16xf32>,
        %parallel_loop3A_385 = arith.index_cast %parallel_loop3A_379 : i32 to index
        %parallel_loop3A_386 = arith.constant 0 : index
        %parallel_loop3A_387 = tpu.vector_load %arg16[%parallel_loop3A_385, %parallel_loop3A_386] {strides = array<i32>} : memref<128x128xf32, #tpu.memory_space<vmem>>, vector<16xf32>,
        %parallel_loop3A_388 = arith.subf %parallel_loop3A_384, %parallel_loop3A_387 : vector<16xf32>
        %parallel_loop3A_389 = arith.mulf %parallel_loop3A_381, %parallel_loop3A_388 : vector<16xf32>
        %parallel_loop3A_390 = arith.addf %parallel_loop3A_389, %parallel_loop3A_387 : vector<16xf32>
        %parallel_loop3A_391 = arith.index_cast %parallel_loop3A_379 : i32 to index
        %parallel_loop3A_392 = arith.constant 0 : index
        %parallel_loop3A_393 = tpu.vector_load %arg17[%parallel_loop3A_391, %parallel_loop3A_392] {strides = array<i32>} : memref<128x128xf32, #tpu.memory_space<vmem>>, vector<16xf32>,
        tpu.vector_store %arg17[%parallel_loop3A_391, %parallel_loop3A_392], %parallel_loop3A_390 {strides = array<i32>} : memref<128x128xf32, #tpu.memory_space<vmem>>, vector<16xf32>,
        %parallel_loop3A_394 = arith.index_cast %parallel_loop3A_379 : i32 to index
        %parallel_loop3A_395 = arith.constant 16 : index
        %parallel_loop3A_396 = tpu.vector_load %arg17[%parallel_loop3A_394, %parallel_loop3A_395] {strides = array<i32>} : memref<128x128xf32, #tpu.memory_space<vmem>>, vector<16xf32>,
        %parallel_loop3A_397 = arith.index_cast %parallel_loop3A_379 : i32 to index
        %parallel_loop3A_398 = arith.constant 16 : index
        %parallel_loop3A_399 = tpu.vector_load %arg16[%parallel_loop3A_397, %parallel_loop3A_398] {strides = array<i32>} : memref<128x128xf32, #tpu.memory_space<vmem>>, vector<16xf32>,
        %parallel_loop3A_400 = arith.subf %parallel_loop3A_396, %parallel_loop3A_399 : vector<16xf32>
        %parallel_loop3A_401 = arith.mulf %parallel_loop3A_381, %parallel_loop3A_400 : vector<16xf32>
        %parallel_loop3A_402 = arith.addf %parallel_loop3A_401, %parallel_loop3A_399 : vector<16xf32>
        %parallel_loop3A_403 = arith.index_cast %parallel_loop3A_379 : i32 to index
        %parallel_loop3A_404 = arith.constant 16 : index
        %parallel_loop3A_405 = tpu.vector_load %arg17[%parallel_loop3A_403, %parallel_loop3A_404] {strides = array<i32>} : memref<128x128xf32, #tpu.memory_space<vmem>>, vector<16xf32>,
        tpu.vector_store %arg17[%parallel_loop3A_403, %parallel_loop3A_404], %parallel_loop3A_402 {strides = array<i32>} : memref<128x128xf32, #tpu.memory_space<vmem>>, vector<16xf32>,
        %parallel_loop3A_406 = arith.index_cast %parallel_loop3A_379 : i32 to index
        %parallel_loop3A_407 = arith.constant 32 : index
        %parallel_loop3A_408 = tpu.vector_load %arg17[%parallel_loop3A_406, %parallel_loop3A_407] {strides = array<i32>} : memref<128x128xf32, #tpu.memory_space<vmem>>, vector<16xf32>,
        %parallel_loop3A_409 = arith.index_cast %parallel_loop3A_379 : i32 to index
        %parallel_loop3A_410 = arith.constant 32 : index
        %parallel_loop3A_411 = tpu.vector_load %arg16[%parallel_loop3A_409, %parallel_loop3A_410] {strides = array<i32>} : memref<128x128xf32, #tpu.memory_space<vmem>>, vector<16xf32>,
        %parallel_loop3A_412 = arith.subf %parallel_loop3A_408, %parallel_loop3A_411 : vector<16xf32>
        %parallel_loop3A_413 = arith.mulf %parallel_loop3A_381, %parallel_loop3A_412 : vector<16xf32>
        %parallel_loop3A_414 = arith.addf %parallel_loop3A_413, %parallel_loop3A_411 : vector<16xf32>
        %parallel_loop3A_415 = arith.index_cast %parallel_loop3A_379 : i32 to index
        %parallel_loop3A_416 = arith.constant 32 : index
        %parallel_loop3A_417 = tpu.vector_load %arg17[%parallel_loop3A_415, %parallel_loop3A_416] {strides = array<i32>} : memref<128x128xf32, #tpu.memory_space<vmem>>, vector<16xf32>,
        tpu.vector_store %arg17[%parallel_loop3A_415, %parallel_loop3A_416], %parallel_loop3A_414 {strides = array<i32>} : memref<128x128xf32, #tpu.memory_space<vmem>>, vector<16xf32>,
        %parallel_loop3A_418 = arith.index_cast %parallel_loop3A_379 : i32 to index
        %parallel_loop3A_419 = arith.constant 48 : index
        %parallel_loop3A_420 = tpu.vector_load %arg17[%parallel_loop3A_418, %parallel_loop3A_419] {strides = array<i32>} : memref<128x128xf32, #tpu.memory_space<vmem>>, vector<16xf32>,
        %parallel_loop3A_421 = arith.index_cast %parallel_loop3A_379 : i32 to index
        %parallel_loop3A_422 = arith.constant 48 : index
        %parallel_loop3A_423 = tpu.vector_load %arg16[%parallel_loop3A_421, %parallel_loop3A_422] {strides = array<i32>} : memref<128x128xf32, #tpu.memory_space<vmem>>, vector<16xf32>,
        %parallel_loop3A_424 = arith.subf %parallel_loop3A_420, %parallel_loop3A_423 : vector<16xf32>
        %parallel_loop3A_425 = arith.mulf %parallel_loop3A_381, %parallel_loop3A_424 : vector<16xf32>
        %parallel_loop3A_426 = arith.addf %parallel_loop3A_425, %parallel_loop3A_423 : vector<16xf32>
        %parallel_loop3A_427 = arith.index_cast %parallel_loop3A_379 : i32 to index
        %parallel_loop3A_428 = arith.constant 48 : index
        %parallel_loop3A_429 = tpu.vector_load %arg17[%parallel_loop3A_427, %parallel_loop3A_428] {strides = array<i32>} : memref<128x128xf32, #tpu.memory_space<vmem>>, vector<16xf32>,
        tpu.vector_store %arg17[%parallel_loop3A_427, %parallel_loop3A_428], %parallel_loop3A_426 {strides = array<i32>} : memref<128x128xf32, #tpu.memory_space<vmem>>, vector<16xf32>,
        %parallel_loop3A_430 = arith.index_cast %parallel_loop3A_379 : i32 to index
        %parallel_loop3A_431 = arith.constant 64 : index
        %parallel_loop3A_432 = tpu.vector_load %arg17[%parallel_loop3A_430, %parallel_loop3A_431] {strides = array<i32>} : memref<128x128xf32, #tpu.memory_space<vmem>>, vector<16xf32>,
        %parallel_loop3A_433 = arith.index_cast %parallel_loop3A_379 : i32 to index
        %parallel_loop3A_434 = arith.constant 64 : index
        %parallel_loop3A_435 = tpu.vector_load %arg16[%parallel_loop3A_433, %parallel_loop3A_434] {strides = array<i32>} : memref<128x128xf32, #tpu.memory_space<vmem>>, vector<16xf32>,
        %parallel_loop3A_436 = arith.subf %parallel_loop3A_432, %parallel_loop3A_435 : vector<16xf32>
        %parallel_loop3A_437 = arith.mulf %parallel_loop3A_381, %parallel_loop3A_436 : vector<16xf32>
        %parallel_loop3A_438 = arith.addf %parallel_loop3A_437, %parallel_loop3A_435 : vector<16xf32>
        %parallel_loop3A_439 = arith.index_cast %parallel_loop3A_379 : i32 to index
        %parallel_loop3A_440 = arith.constant 64 : index
        %parallel_loop3A_441 = tpu.vector_load %arg17[%parallel_loop3A_439, %parallel_loop3A_440] {strides = array<i32>} : memref<128x128xf32, #tpu.memory_space<vmem>>, vector<16xf32>,
        tpu.vector_store %arg17[%parallel_loop3A_439, %parallel_loop3A_440], %parallel_loop3A_438 {strides = array<i32>} : memref<128x128xf32, #tpu.memory_space<vmem>>, vector<16xf32>,
        %parallel_loop3A_442 = arith.index_cast %parallel_loop3A_379 : i32 to index
        %parallel_loop3A_443 = arith.constant 80 : index
        %parallel_loop3A_444 = tpu.vector_load %arg17[%parallel_loop3A_442, %parallel_loop3A_443] {strides = array<i32>} : memref<128x128xf32, #tpu.memory_space<vmem>>, vector<16xf32>,
        %parallel_loop3A_445 = arith.index_cast %parallel_loop3A_379 : i32 to index
        %parallel_loop3A_446 = arith.constant 80 : index
        %parallel_loop3A_447 = tpu.vector_load %arg16[%parallel_loop3A_445, %parallel_loop3A_446] {strides = array<i32>} : memref<128x128xf32, #tpu.memory_space<vmem>>, vector<16xf32>,
        %parallel_loop3A_448 = arith.subf %parallel_loop3A_444, %parallel_loop3A_447 : vector<16xf32>
        %parallel_loop3A_449 = arith.mulf %parallel_loop3A_381, %parallel_loop3A_448 : vector<16xf32>
        %parallel_loop3A_450 = arith.addf %parallel_loop3A_449, %parallel_loop3A_447 : vector<16xf32>
        %parallel_loop3A_451 = arith.index_cast %parallel_loop3A_379 : i32 to index
        %parallel_loop3A_452 = arith.constant 80 : index
        %parallel_loop3A_453 = tpu.vector_load %arg17[%parallel_loop3A_451, %parallel_loop3A_452] {strides = array<i32>} : memref<128x128xf32, #tpu.memory_space<vmem>>, vector<16xf32>,
        tpu.vector_store %arg17[%parallel_loop3A_451, %parallel_loop3A_452], %parallel_loop3A_450 {strides = array<i32>} : memref<128x128xf32, #tpu.memory_space<vmem>>, vector<16xf32>,
        %parallel_loop3A_454 = arith.index_cast %parallel_loop3A_379 : i32 to index
        %parallel_loop3A_455 = arith.constant 96 : index
        %parallel_loop3A_456 = tpu.vector_load %arg17[%parallel_loop3A_454, %parallel_loop3A_455] {strides = array<i32>} : memref<128x128xf32, #tpu.memory_space<vmem>>, vector<16xf32>,
        %parallel_loop3A_457 = arith.index_cast %parallel_loop3A_379 : i32 to index
        %parallel_loop3A_458 = arith.constant 96 : index
        %parallel_loop3A_459 = tpu.vector_load %arg16[%parallel_loop3A_457, %parallel_loop3A_458] {strides = array<i32>} : memref<128x128xf32, #tpu.memory_space<vmem>>, vector<16xf32>,
        %parallel_loop3A_460 = arith.subf %parallel_loop3A_456, %parallel_loop3A_459 : vector<16xf32>
        %parallel_loop3A_461 = arith.mulf %parallel_loop3A_381, %parallel_loop3A_460 : vector<16xf32>
        %parallel_loop3A_462 = arith.addf %parallel_loop3A_461, %parallel_loop3A_459 : vector<16xf32>
        %parallel_loop3A_463 = arith.index_cast %parallel_loop3A_379 : i32 to index
        %parallel_loop3A_464 = arith.constant 96 : index
        %parallel_loop3A_465 = tpu.vector_load %arg17[%parallel_loop3A_463, %parallel_loop3A_464] {strides = array<i32>} : memref<128x128xf32, #tpu.memory_space<vmem>>, vector<16xf32>,
        tpu.vector_store %arg17[%parallel_loop3A_463, %parallel_loop3A_464], %parallel_loop3A_462 {strides = array<i32>} : memref<128x128xf32, #tpu.memory_space<vmem>>, vector<16xf32>,
        %parallel_loop3A_466 = arith.index_cast %parallel_loop3A_379 : i32 to index
        %parallel_loop3A_467 = arith.constant 112 : index
        %parallel_loop3A_468 = tpu.vector_load %arg17[%parallel_loop3A_466, %parallel_loop3A_467] {strides = array<i32>} : memref<128x128xf32, #tpu.memory_space<vmem>>, vector<16xf32>,
        %parallel_loop3A_469 = arith.index_cast %parallel_loop3A_379 : i32 to index
        %parallel_loop3A_470 = arith.constant 112 : index
        %parallel_loop3A_471 = tpu.vector_load %arg16[%parallel_loop3A_469, %parallel_loop3A_470] {strides = array<i32>} : memref<128x128xf32, #tpu.memory_space<vmem>>, vector<16xf32>,
        %parallel_loop3A_472 = arith.subf %parallel_loop3A_468, %parallel_loop3A_471 : vector<16xf32>
        %parallel_loop3A_473 = arith.mulf %parallel_loop3A_381, %parallel_loop3A_472 : vector<16xf32>
        %parallel_loop3A_474 = arith.addf %parallel_loop3A_473, %parallel_loop3A_471 : vector<16xf32>
        %parallel_loop3A_475 = arith.index_cast %parallel_loop3A_379 : i32 to index
        %parallel_loop3A_476 = arith.constant 112 : index
        %parallel_loop3A_477 = tpu.vector_load %arg17[%parallel_loop3A_475, %parallel_loop3A_476] {strides = array<i32>} : memref<128x128xf32, #tpu.memory_space<vmem>>, vector<16xf32>,
        tpu.vector_store %arg17[%parallel_loop3A_475, %parallel_loop3A_476], %parallel_loop3A_474 {strides = array<i32>} : memref<128x128xf32, #tpu.memory_space<vmem>>, vector<16xf32>,
      } {sc.loop_unroll_factor = 2 : i64, sc.parallel_access}
      "tpu.region"() ({
        %run_scoped3A = tpu.sem_alloc : memref<!tpu.dma_semaphore, #tpu.memory_space<semaphore_mem>>
        %dma_start3A_379 = tpu.memref_slice %arg12[%mul3A_186] : memref<3200xi32, #tpu.memory_space<vmem>> -> memref<128xi32, #tpu.memory_space<vmem>>
        %dma_start3A_380 = arith.constant 0 : i32
        %dma_start3A_381 = arith.constant 0 : i32
        %dma_start3A_382 = tpu.memref_slice %arg7[%dma_start3A_380, %dma_start3A_381] : memref<100000x128xf32, #tpu.memory_space<hbm>> -> memref<100000x128xf32, #tpu.memory_space<hbm>>
        tpu.enqueue_indirect_dma source(%arg17 : memref<128x128xf32, #tpu.memory_space<vmem>>) target(%dma_start3A_382 : memref<100000x128xf32, #tpu.memory_space<hbm>>) offsets(%dma_start3A_379 : memref<128xi32, #tpu.memory_space<vmem>>) semaphore(%run_scoped3A : memref<!tpu.dma_semaphore, #tpu.memory_space<semaphore_mem>>)
        %dma_wait3A_383 = tpu.memref_slice %arg12[%mul3A_186] : memref<3200xi32, #tpu.memory_space<vmem>> -> memref<128xi32, #tpu.memory_space<vmem>>
        %dma_wait3A_384 = arith.constant 0 : i32
        %dma_wait3A_385 = arith.constant 0 : i32
        %dma_wait3A_386 = tpu.memref_slice %arg7[%dma_wait3A_384, %dma_wait3A_385] : memref<100000x128xf32, #tpu.memory_space<hbm>> -> memref<100000x128xf32, #tpu.memory_space<hbm>>
        tpu.wait_indirect_dma semaphore(%run_scoped3A : memref<!tpu.dma_semaphore, #tpu.memory_space<semaphore_mem>>) src(%arg17 : memref<128x128xf32, #tpu.memory_space<vmem>>) dst(%dma_wait3A_386 : memref<100000x128xf32, #tpu.memory_space<hbm>>)
        tpu.yield
      }) : () -> ()
    }
    %while3A_173 = arith.constant 1 : i32
    scf.for %while3A_184 = %while3A_171 to %while3A_167 step %while3A_173  : i32 {
      %mul3A_185 = arith.constant 128 : i32
      %mul3A_186 = arith.muli %while3A_184, %mul3A_185 : i32
      %dma_start3A_187 = tpu.memref_slice %arg13[%mul3A_186] : memref<3200xi32, #tpu.memory_space<vmem>> -> memref<128xi32, #tpu.memory_space<vmem>>
      %dma_start3A_188 = arith.constant 0 : i32
      %dma_start3A_189 = arith.constant 0 : i32
      %dma_start3A_190 = tpu.memref_slice %arg5[%dma_start3A_188, %dma_start3A_189] : memref<16384x128xf32, #tpu.memory_space<hbm>> -> memref<16384x128xf32, #tpu.memory_space<hbm>>
      tpu.enqueue_indirect_dma source(%dma_start3A_190 : memref<16384x128xf32, #tpu.memory_space<hbm>>) target(%arg16 : memref<128x128xf32, #tpu.memory_space<vmem>>) offsets(%dma_start3A_187 : memref<128xi32, #tpu.memory_space<vmem>>) semaphore(%arg23 : memref<!tpu.dma_semaphore, #tpu.memory_space<semaphore_mem>>)
      %dma_start3A_191 = tpu.memref_slice %arg12[%mul3A_186] : memref<3200xi32, #tpu.memory_space<vmem>> -> memref<128xi32, #tpu.memory_space<vmem>>
      %dma_start3A_192 = arith.constant 0 : i32
      %dma_start3A_193 = arith.constant 0 : i32
      %dma_start3A_194 = tpu.memref_slice %arg2[%dma_start3A_192, %dma_start3A_193] : memref<100000x128xf32, #tpu.memory_space<hbm>> -> memref<100000x128xf32, #tpu.memory_space<hbm>>
      tpu.enqueue_indirect_dma source(%dma_start3A_194 : memref<100000x128xf32, #tpu.memory_space<hbm>>) target(%arg17 : memref<128x128xf32, #tpu.memory_space<vmem>>) offsets(%dma_start3A_191 : memref<128xi32, #tpu.memory_space<vmem>>) semaphore(%arg24 : memref<!tpu.dma_semaphore, #tpu.memory_space<semaphore_mem>>)
      %add3A_195 = arith.constant 0 : i32
      %add3A_196 = arith.addi %mul3A_186, %add3A_195 : i32
      %get3A = arith.index_cast %add3A_196 : i32 to index
      %get3A_197 = tpu.vector_load %arg13[%get3A] {strides = array<i32>} : memref<3200xi32, #tpu.memory_space<vmem>>, vector<16xi32>,
      %add3A_198 = arith.constant 0 : i32
      %add3A_199 = arith.addi %mul3A_186, %add3A_198 : i32
      %get3A_200 = arith.index_cast %add3A_199 : i32 to index
      %get3A_201 = tpu.vector_load %arg12[%get3A_200] {strides = array<i32>} : memref<3200xi32, #tpu.memory_space<vmem>>, vector<16xi32>,
      %gather3A_202 = tpu.vector_load_idx %arg10[%get3A_197] : memref<16384xf32, #tpu.memory_space<vmem>>[vector<16xi32>], vector<16xf32>,
      %sub3A_203 = vector.broadcast %min3A_7 : i32 to vector<16xi32>
      %sub3A_204 = arith.subi %get3A_201, %sub3A_203 : vector<16xi32>
      %gather3A_205 = tpu.vector_load_idx %arg14[%sub3A_204] : memref<3136xf32, #tpu.memory_space<vmem>>[vector<16xi32>], vector<16xf32>,
      %sub3A_206 = arith.subf %gather3A_202, %gather3A_205 : vector<16xf32>
      %max3A_207 = arith.constant 0.000000e+00 : f32
      %max3A_208 = vector.broadcast %max3A_207 : f32 to vector<16xf32>
      %max3A_209 = arith.maximumf %sub3A_206, %max3A_208 : vector<16xf32>
      %mul3A_210 = arith.constant -0.0173286796 : f32
      %mul3A_211 = vector.broadcast %mul3A_210 : f32 to vector<16xf32>
      %mul3A_212 = arith.mulf %max3A_209, %mul3A_211 : vector<16xf32>
      %exp3A = math.exp %mul3A_212 : vector<16xf32>
      %swap3A = arith.constant 0 : index
      %swap3A_213 = tpu.vector_load %arg15[%swap3A] {strides = array<i32>} : memref<128xf32, #tpu.memory_space<vmem>>, vector<16xf32>,
      tpu.vector_store %arg15[%swap3A], %exp3A {strides = array<i32>} : memref<128xf32, #tpu.memory_space<vmem>>, vector<16xf32>,
      %add3A_214 = arith.constant 16 : i32
      %add3A_215 = arith.addi %mul3A_186, %add3A_214 : i32
      %get3A_216 = arith.index_cast %add3A_215 : i32 to index
      %get3A_217 = tpu.vector_load %arg13[%get3A_216] {strides = array<i32>} : memref<3200xi32, #tpu.memory_space<vmem>>, vector<16xi32>,
      %add3A_218 = arith.constant 16 : i32
      %add3A_219 = arith.addi %mul3A_186, %add3A_218 : i32
      %get3A_220 = arith.index_cast %add3A_219 : i32 to index
      %get3A_221 = tpu.vector_load %arg12[%get3A_220] {strides = array<i32>} : memref<3200xi32, #tpu.memory_space<vmem>>, vector<16xi32>,
      %gather3A_222 = tpu.vector_load_idx %arg10[%get3A_217] : memref<16384xf32, #tpu.memory_space<vmem>>[vector<16xi32>], vector<16xf32>,
      %sub3A_223 = vector.broadcast %min3A_7 : i32 to vector<16xi32>
      %sub3A_224 = arith.subi %get3A_221, %sub3A_223 : vector<16xi32>
      %gather3A_225 = tpu.vector_load_idx %arg14[%sub3A_224] : memref<3136xf32, #tpu.memory_space<vmem>>[vector<16xi32>], vector<16xf32>,
      %sub3A_226 = arith.subf %gather3A_222, %gather3A_225 : vector<16xf32>
      %max3A_227 = arith.constant 0.000000e+00 : f32
      %max3A_228 = vector.broadcast %max3A_227 : f32 to vector<16xf32>
      %max3A_229 = arith.maximumf %sub3A_226, %max3A_228 : vector<16xf32>
      %mul3A_230 = arith.constant -0.0173286796 : f32
      %mul3A_231 = vector.broadcast %mul3A_230 : f32 to vector<16xf32>
      %mul3A_232 = arith.mulf %max3A_229, %mul3A_231 : vector<16xf32>
      %exp3A_233 = math.exp %mul3A_232 : vector<16xf32>
      %swap3A_234 = arith.constant 16 : index
      %swap3A_235 = tpu.vector_load %arg15[%swap3A_234] {strides = array<i32>} : memref<128xf32, #tpu.memory_space<vmem>>, vector<16xf32>,
      tpu.vector_store %arg15[%swap3A_234], %exp3A_233 {strides = array<i32>} : memref<128xf32, #tpu.memory_space<vmem>>, vector<16xf32>,
      %add3A_236 = arith.constant 32 : i32
      %add3A_237 = arith.addi %mul3A_186, %add3A_236 : i32
      %get3A_238 = arith.index_cast %add3A_237 : i32 to index
      %get3A_239 = tpu.vector_load %arg13[%get3A_238] {strides = array<i32>} : memref<3200xi32, #tpu.memory_space<vmem>>, vector<16xi32>,
      %add3A_240 = arith.constant 32 : i32
      %add3A_241 = arith.addi %mul3A_186, %add3A_240 : i32
      %get3A_242 = arith.index_cast %add3A_241 : i32 to index
      %get3A_243 = tpu.vector_load %arg12[%get3A_242] {strides = array<i32>} : memref<3200xi32, #tpu.memory_space<vmem>>, vector<16xi32>,
      %gather3A_244 = tpu.vector_load_idx %arg10[%get3A_239] : memref<16384xf32, #tpu.memory_space<vmem>>[vector<16xi32>], vector<16xf32>,
      %sub3A_245 = vector.broadcast %min3A_7 : i32 to vector<16xi32>
      %sub3A_246 = arith.subi %get3A_243, %sub3A_245 : vector<16xi32>
      %gather3A_247 = tpu.vector_load_idx %arg14[%sub3A_246] : memref<3136xf32, #tpu.memory_space<vmem>>[vector<16xi32>], vector<16xf32>,
      %sub3A_248 = arith.subf %gather3A_244, %gather3A_247 : vector<16xf32>
      %max3A_249 = arith.constant 0.000000e+00 : f32
      %max3A_250 = vector.broadcast %max3A_249 : f32 to vector<16xf32>
      %max3A_251 = arith.maximumf %sub3A_248, %max3A_250 : vector<16xf32>
      %mul3A_252 = arith.constant -0.0173286796 : f32
      %mul3A_253 = vector.broadcast %mul3A_252 : f32 to vector<16xf32>
      %mul3A_254 = arith.mulf %max3A_251, %mul3A_253 : vector<16xf32>
      %exp3A_255 = math.exp %mul3A_254 : vector<16xf32>
      %swap3A_256 = arith.constant 32 : index
      %swap3A_257 = tpu.vector_load %arg15[%swap3A_256] {strides = array<i32>} : memref<128xf32, #tpu.memory_space<vmem>>, vector<16xf32>,
      tpu.vector_store %arg15[%swap3A_256], %exp3A_255 {strides = array<i32>} : memref<128xf32, #tpu.memory_space<vmem>>, vector<16xf32>,
      %add3A_258 = arith.constant 48 : i32
      %add3A_259 = arith.addi %mul3A_186, %add3A_258 : i32
      %get3A_260 = arith.index_cast %add3A_259 : i32 to index
      %get3A_261 = tpu.vector_load %arg13[%get3A_260] {strides = array<i32>} : memref<3200xi32, #tpu.memory_space<vmem>>, vector<16xi32>,
      %add3A_262 = arith.constant 48 : i32
      %add3A_263 = arith.addi %mul3A_186, %add3A_262 : i32
      %get3A_264 = arith.index_cast %add3A_263 : i32 to index
      %get3A_265 = tpu.vector_load %arg12[%get3A_264] {strides = array<i32>} : memref<3200xi32, #tpu.memory_space<vmem>>, vector<16xi32>,
      %gather3A_266 = tpu.vector_load_idx %arg10[%get3A_261] : memref<16384xf32, #tpu.memory_space<vmem>>[vector<16xi32>], vector<16xf32>,
      %sub3A_267 = vector.broadcast %min3A_7 : i32 to vector<16xi32>
      %sub3A_268 = arith.subi %get3A_265, %sub3A_267 : vector<16xi32>
      %gather3A_269 = tpu.vector_load_idx %arg14[%sub3A_268] : memref<3136xf32, #tpu.memory_space<vmem>>[vector<16xi32>], vector<16xf32>,
      %sub3A_270 = arith.subf %gather3A_266, %gather3A_269 : vector<16xf32>
      %max3A_271 = arith.constant 0.000000e+00 : f32
      %max3A_272 = vector.broadcast %max3A_271 : f32 to vector<16xf32>
      %max3A_273 = arith.maximumf %sub3A_270, %max3A_272 : vector<16xf32>
      %mul3A_274 = arith.constant -0.0173286796 : f32
      %mul3A_275 = vector.broadcast %mul3A_274 : f32 to vector<16xf32>
      %mul3A_276 = arith.mulf %max3A_273, %mul3A_275 : vector<16xf32>
      %exp3A_277 = math.exp %mul3A_276 : vector<16xf32>
      %swap3A_278 = arith.constant 48 : index
      %swap3A_279 = tpu.vector_load %arg15[%swap3A_278] {strides = array<i32>} : memref<128xf32, #tpu.memory_space<vmem>>, vector<16xf32>,
      tpu.vector_store %arg15[%swap3A_278], %exp3A_277 {strides = array<i32>} : memref<128xf32, #tpu.memory_space<vmem>>, vector<16xf32>,
      %add3A_280 = arith.constant 64 : i32
      %add3A_281 = arith.addi %mul3A_186, %add3A_280 : i32
      %get3A_282 = arith.index_cast %add3A_281 : i32 to index
      %get3A_283 = tpu.vector_load %arg13[%get3A_282] {strides = array<i32>} : memref<3200xi32, #tpu.memory_space<vmem>>, vector<16xi32>,
      %add3A_284 = arith.constant 64 : i32
      %add3A_285 = arith.addi %mul3A_186, %add3A_284 : i32
      %get3A_286 = arith.index_cast %add3A_285 : i32 to index
      %get3A_287 = tpu.vector_load %arg12[%get3A_286] {strides = array<i32>} : memref<3200xi32, #tpu.memory_space<vmem>>, vector<16xi32>,
      %gather3A_288 = tpu.vector_load_idx %arg10[%get3A_283] : memref<16384xf32, #tpu.memory_space<vmem>>[vector<16xi32>], vector<16xf32>,
      %sub3A_289 = vector.broadcast %min3A_7 : i32 to vector<16xi32>
      %sub3A_290 = arith.subi %get3A_287, %sub3A_289 : vector<16xi32>
      %gather3A_291 = tpu.vector_load_idx %arg14[%sub3A_290] : memref<3136xf32, #tpu.memory_space<vmem>>[vector<16xi32>], vector<16xf32>,
      %sub3A_292 = arith.subf %gather3A_288, %gather3A_291 : vector<16xf32>
      %max3A_293 = arith.constant 0.000000e+00 : f32
      %max3A_294 = vector.broadcast %max3A_293 : f32 to vector<16xf32>
      %max3A_295 = arith.maximumf %sub3A_292, %max3A_294 : vector<16xf32>
      %mul3A_296 = arith.constant -0.0173286796 : f32
      %mul3A_297 = vector.broadcast %mul3A_296 : f32 to vector<16xf32>
      %mul3A_298 = arith.mulf %max3A_295, %mul3A_297 : vector<16xf32>
      %exp3A_299 = math.exp %mul3A_298 : vector<16xf32>
      %swap3A_300 = arith.constant 64 : index
      %swap3A_301 = tpu.vector_load %arg15[%swap3A_300] {strides = array<i32>} : memref<128xf32, #tpu.memory_space<vmem>>, vector<16xf32>,
      tpu.vector_store %arg15[%swap3A_300], %exp3A_299 {strides = array<i32>} : memref<128xf32, #tpu.memory_space<vmem>>, vector<16xf32>,
      %add3A_302 = arith.constant 80 : i32
      %add3A_303 = arith.addi %mul3A_186, %add3A_302 : i32
      %get3A_304 = arith.index_cast %add3A_303 : i32 to index
      %get3A_305 = tpu.vector_load %arg13[%get3A_304] {strides = array<i32>} : memref<3200xi32, #tpu.memory_space<vmem>>, vector<16xi32>,
      %add3A_306 = arith.constant 80 : i32
      %add3A_307 = arith.addi %mul3A_186, %add3A_306 : i32
      %get3A_308 = arith.index_cast %add3A_307 : i32 to index
      %get3A_309 = tpu.vector_load %arg12[%get3A_308] {strides = array<i32>} : memref<3200xi32, #tpu.memory_space<vmem>>, vector<16xi32>,
      %gather3A_310 = tpu.vector_load_idx %arg10[%get3A_305] : memref<16384xf32, #tpu.memory_space<vmem>>[vector<16xi32>], vector<16xf32>,
      %sub3A_311 = vector.broadcast %min3A_7 : i32 to vector<16xi32>
      %sub3A_312 = arith.subi %get3A_309, %sub3A_311 : vector<16xi32>
      %gather3A_313 = tpu.vector_load_idx %arg14[%sub3A_312] : memref<3136xf32, #tpu.memory_space<vmem>>[vector<16xi32>], vector<16xf32>,
      %sub3A_314 = arith.subf %gather3A_310, %gather3A_313 : vector<16xf32>
      %max3A_315 = arith.constant 0.000000e+00 : f32
      %max3A_316 = vector.broadcast %max3A_315 : f32 to vector<16xf32>
      %max3A_317 = arith.maximumf %sub3A_314, %max3A_316 : vector<16xf32>
      %mul3A_318 = arith.constant -0.0173286796 : f32
      %mul3A_319 = vector.broadcast %mul3A_318 : f32 to vector<16xf32>
      %mul3A_320 = arith.mulf %max3A_317, %mul3A_319 : vector<16xf32>
      %exp3A_321 = math.exp %mul3A_320 : vector<16xf32>
      %swap3A_322 = arith.constant 80 : index
      %swap3A_323 = tpu.vector_load %arg15[%swap3A_322] {strides = array<i32>} : memref<128xf32, #tpu.memory_space<vmem>>, vector<16xf32>,
      tpu.vector_store %arg15[%swap3A_322], %exp3A_321 {strides = array<i32>} : memref<128xf32, #tpu.memory_space<vmem>>, vector<16xf32>,
      %add3A_324 = arith.constant 96 : i32
      %add3A_325 = arith.addi %mul3A_186, %add3A_324 : i32
      %get3A_326 = arith.index_cast %add3A_325 : i32 to index
      %get3A_327 = tpu.vector_load %arg13[%get3A_326] {strides = array<i32>} : memref<3200xi32, #tpu.memory_space<vmem>>, vector<16xi32>,
      %add3A_328 = arith.constant 96 : i32
      %add3A_329 = arith.addi %mul3A_186, %add3A_328 : i32
      %get3A_330 = arith.index_cast %add3A_329 : i32 to index
      %get3A_331 = tpu.vector_load %arg12[%get3A_330] {strides = array<i32>} : memref<3200xi32, #tpu.memory_space<vmem>>, vector<16xi32>,
      %gather3A_332 = tpu.vector_load_idx %arg10[%get3A_327] : memref<16384xf32, #tpu.memory_space<vmem>>[vector<16xi32>], vector<16xf32>,
      %sub3A_333 = vector.broadcast %min3A_7 : i32 to vector<16xi32>
      %sub3A_334 = arith.subi %get3A_331, %sub3A_333 : vector<16xi32>
      %gather3A_335 = tpu.vector_load_idx %arg14[%sub3A_334] : memref<3136xf32, #tpu.memory_space<vmem>>[vector<16xi32>], vector<16xf32>,
      %sub3A_336 = arith.subf %gather3A_332, %gather3A_335 : vector<16xf32>
      %max3A_337 = arith.constant 0.000000e+00 : f32
      %max3A_338 = vector.broadcast %max3A_337 : f32 to vector<16xf32>
      %max3A_339 = arith.maximumf %sub3A_336, %max3A_338 : vector<16xf32>
      %mul3A_340 = arith.constant -0.0173286796 : f32
      %mul3A_341 = vector.broadcast %mul3A_340 : f32 to vector<16xf32>
      %mul3A_342 = arith.mulf %max3A_339, %mul3A_341 : vector<16xf32>
      %exp3A_343 = math.exp %mul3A_342 : vector<16xf32>
      %swap3A_344 = arith.constant 96 : index
      %swap3A_345 = tpu.vector_load %arg15[%swap3A_344] {strides = array<i32>} : memref<128xf32, #tpu.memory_space<vmem>>, vector<16xf32>,
      tpu.vector_store %arg15[%swap3A_344], %exp3A_343 {strides = array<i32>} : memref<128xf32, #tpu.memory_space<vmem>>, vector<16xf32>,
      %add3A_346 = arith.constant 112 : i32
      %add3A_347 = arith.addi %mul3A_186, %add3A_346 : i32
      %get3A_348 = arith.index_cast %add3A_347 : i32 to index
      %get3A_349 = tpu.vector_load %arg13[%get3A_348] {strides = array<i32>} : memref<3200xi32, #tpu.memory_space<vmem>>, vector<16xi32>,
      %add3A_350 = arith.constant 112 : i32
      %add3A_351 = arith.addi %mul3A_186, %add3A_350 : i32
      %get3A_352 = arith.index_cast %add3A_351 : i32 to index
      %get3A_353 = tpu.vector_load %arg12[%get3A_352] {strides = array<i32>} : memref<3200xi32, #tpu.memory_space<vmem>>, vector<16xi32>,
      %gather3A_354 = tpu.vector_load_idx %arg10[%get3A_349] : memref<16384xf32, #tpu.memory_space<vmem>>[vector<16xi32>], vector<16xf32>,
      %sub3A_355 = vector.broadcast %min3A_7 : i32 to vector<16xi32>
      %sub3A_356 = arith.subi %get3A_353, %sub3A_355 : vector<16xi32>
      %gather3A_357 = tpu.vector_load_idx %arg14[%sub3A_356] : memref<3136xf32, #tpu.memory_space<vmem>>[vector<16xi32>], vector<16xf32>,
      %sub3A_358 = arith.subf %gather3A_354, %gather3A_357 : vector<16xf32>
      %max3A_359 = arith.constant 0.000000e+00 : f32
      %max3A_360 = vector.broadcast %max3A_359 : f32 to vector<16xf32>
      %max3A_361 = arith.maximumf %sub3A_358, %max3A_360 : vector<16xf32>
      %mul3A_362 = arith.constant -0.0173286796 : f32
      %mul3A_363 = vector.broadcast %mul3A_362 : f32 to vector<16xf32>
      %mul3A_364 = arith.mulf %max3A_361, %mul3A_363 : vector<16xf32>
      %exp3A_365 = math.exp %mul3A_364 : vector<16xf32>
      %swap3A_366 = arith.constant 112 : index
      %swap3A_367 = tpu.vector_load %arg15[%swap3A_366] {strides = array<i32>} : memref<128xf32, #tpu.memory_space<vmem>>, vector<16xf32>,
      tpu.vector_store %arg15[%swap3A_366], %exp3A_365 {strides = array<i32>} : memref<128xf32, #tpu.memory_space<vmem>>, vector<16xf32>,
      %dma_wait3A_368 = tpu.memref_slice %arg13[%mul3A_186] : memref<3200xi32, #tpu.memory_space<vmem>> -> memref<128xi32, #tpu.memory_space<vmem>>
      %dma_wait3A_369 = arith.constant 0 : i32
      %dma_wait3A_370 = arith.constant 0 : i32
      %dma_wait3A_371 = tpu.memref_slice %arg5[%dma_wait3A_369, %dma_wait3A_370] : memref<16384x128xf32, #tpu.memory_space<hbm>> -> memref<16384x128xf32, #tpu.memory_space<hbm>>
      tpu.wait_indirect_dma semaphore(%arg23 : memref<!tpu.dma_semaphore, #tpu.memory_space<semaphore_mem>>) src(%dma_wait3A_371 : memref<16384x128xf32, #tpu.memory_space<hbm>>) dst(%arg16 : memref<128x128xf32, #tpu.memory_space<vmem>>)
      %dma_wait3A_372 = tpu.memref_slice %arg12[%mul3A_186] : memref<3200xi32, #tpu.memory_space<vmem>> -> memref<128xi32, #tpu.memory_space<vmem>>
      %dma_wait3A_373 = arith.constant 0 : i32
      %dma_wait3A_374 = arith.constant 0 : i32
      %dma_wait3A_375 = tpu.memref_slice %arg2[%dma_wait3A_373, %dma_wait3A_374] : memref<100000x128xf32, #tpu.memory_space<hbm>> -> memref<100000x128xf32, #tpu.memory_space<hbm>>
      tpu.wait_indirect_dma semaphore(%arg24 : memref<!tpu.dma_semaphore, #tpu.memory_space<semaphore_mem>>) src(%dma_wait3A_375 : memref<100000x128xf32, #tpu.memory_space<hbm>>) dst(%arg17 : memref<128x128xf32, #tpu.memory_space<vmem>>)
      %parallel_loop3A_376 = arith.constant 0 : i32
      %parallel_loop3A_377 = arith.constant 128 : i32
      %parallel_loop3A_378 = arith.constant 1 : i32
      scf.for %parallel_loop3A_379 = %parallel_loop3A_376 to %parallel_loop3A_377 step %parallel_loop3A_378  : i32 {
        %parallel_loop3A_380 = vector.broadcast %parallel_loop3A_379 : i32 to vector<16xi32>
        %parallel_loop3A_381 = tpu.vector_load_idx %arg15[%parallel_loop3A_380] : memref<128xf32, #tpu.memory_space<vmem>>[vector<16xi32>], vector<16xf32>,
        %parallel_loop3A_382 = arith.index_cast %parallel_loop3A_379 : i32 to index
        %parallel_loop3A_383 = arith.constant 0 : index
        %parallel_loop3A_384 = tpu.vector_load %arg17[%parallel_loop3A_382, %parallel_loop3A_383] {strides = array<i32>} : memref<128x128xf32, #tpu.memory_space<vmem>>, vector<16xf32>,
        %parallel_loop3A_385 = arith.index_cast %parallel_loop3A_379 : i32 to index
        %parallel_loop3A_386 = arith.constant 0 : index
        %parallel_loop3A_387 = tpu.vector_load %arg16[%parallel_loop3A_385, %parallel_loop3A_386] {strides = array<i32>} : memref<128x128xf32, #tpu.memory_space<vmem>>, vector<16xf32>,
        %parallel_loop3A_388 = arith.subf %parallel_loop3A_384, %parallel_loop3A_387 : vector<16xf32>
        %parallel_loop3A_389 = arith.mulf %parallel_loop3A_381, %parallel_loop3A_388 : vector<16xf32>
        %parallel_loop3A_390 = arith.addf %parallel_loop3A_389, %parallel_loop3A_387 : vector<16xf32>
        %parallel_loop3A_391 = arith.index_cast %parallel_loop3A_379 : i32 to index
        %parallel_loop3A_392 = arith.constant 0 : index
        %parallel_loop3A_393 = tpu.vector_load %arg17[%parallel_loop3A_391, %parallel_loop3A_392] {strides = array<i32>} : memref<128x128xf32, #tpu.memory_space<vmem>>, vector<16xf32>,
        tpu.vector_store %arg17[%parallel_loop3A_391, %parallel_loop3A_392], %parallel_loop3A_390 {strides = array<i32>} : memref<128x128xf32, #tpu.memory_space<vmem>>, vector<16xf32>,
        %parallel_loop3A_394 = arith.index_cast %parallel_loop3A_379 : i32 to index
        %parallel_loop3A_395 = arith.constant 16 : index
        %parallel_loop3A_396 = tpu.vector_load %arg17[%parallel_loop3A_394, %parallel_loop3A_395] {strides = array<i32>} : memref<128x128xf32, #tpu.memory_space<vmem>>, vector<16xf32>,
        %parallel_loop3A_397 = arith.index_cast %parallel_loop3A_379 : i32 to index
        %parallel_loop3A_398 = arith.constant 16 : index
        %parallel_loop3A_399 = tpu.vector_load %arg16[%parallel_loop3A_397, %parallel_loop3A_398] {strides = array<i32>} : memref<128x128xf32, #tpu.memory_space<vmem>>, vector<16xf32>,
        %parallel_loop3A_400 = arith.subf %parallel_loop3A_396, %parallel_loop3A_399 : vector<16xf32>
        %parallel_loop3A_401 = arith.mulf %parallel_loop3A_381, %parallel_loop3A_400 : vector<16xf32>
        %parallel_loop3A_402 = arith.addf %parallel_loop3A_401, %parallel_loop3A_399 : vector<16xf32>
        %parallel_loop3A_403 = arith.index_cast %parallel_loop3A_379 : i32 to index
        %parallel_loop3A_404 = arith.constant 16 : index
        %parallel_loop3A_405 = tpu.vector_load %arg17[%parallel_loop3A_403, %parallel_loop3A_404] {strides = array<i32>} : memref<128x128xf32, #tpu.memory_space<vmem>>, vector<16xf32>,
        tpu.vector_store %arg17[%parallel_loop3A_403, %parallel_loop3A_404], %parallel_loop3A_402 {strides = array<i32>} : memref<128x128xf32, #tpu.memory_space<vmem>>, vector<16xf32>,
        %parallel_loop3A_406 = arith.index_cast %parallel_loop3A_379 : i32 to index
        %parallel_loop3A_407 = arith.constant 32 : index
        %parallel_loop3A_408 = tpu.vector_load %arg17[%parallel_loop3A_406, %parallel_loop3A_407] {strides = array<i32>} : memref<128x128xf32, #tpu.memory_space<vmem>>, vector<16xf32>,
        %parallel_loop3A_409 = arith.index_cast %parallel_loop3A_379 : i32 to index
        %parallel_loop3A_410 = arith.constant 32 : index
        %parallel_loop3A_411 = tpu.vector_load %arg16[%parallel_loop3A_409, %parallel_loop3A_410] {strides = array<i32>} : memref<128x128xf32, #tpu.memory_space<vmem>>, vector<16xf32>,
        %parallel_loop3A_412 = arith.subf %parallel_loop3A_408, %parallel_loop3A_411 : vector<16xf32>
        %parallel_loop3A_413 = arith.mulf %parallel_loop3A_381, %parallel_loop3A_412 : vector<16xf32>
        %parallel_loop3A_414 = arith.addf %parallel_loop3A_413, %parallel_loop3A_411 : vector<16xf32>
        %parallel_loop3A_415 = arith.index_cast %parallel_loop3A_379 : i32 to index
        %parallel_loop3A_416 = arith.constant 32 : index
        %parallel_loop3A_417 = tpu.vector_load %arg17[%parallel_loop3A_415, %parallel_loop3A_416] {strides = array<i32>} : memref<128x128xf32, #tpu.memory_space<vmem>>, vector<16xf32>,
        tpu.vector_store %arg17[%parallel_loop3A_415, %parallel_loop3A_416], %parallel_loop3A_414 {strides = array<i32>} : memref<128x128xf32, #tpu.memory_space<vmem>>, vector<16xf32>,
        %parallel_loop3A_418 = arith.index_cast %parallel_loop3A_379 : i32 to index
        %parallel_loop3A_419 = arith.constant 48 : index
        %parallel_loop3A_420 = tpu.vector_load %arg17[%parallel_loop3A_418, %parallel_loop3A_419] {strides = array<i32>} : memref<128x128xf32, #tpu.memory_space<vmem>>, vector<16xf32>,
        %parallel_loop3A_421 = arith.index_cast %parallel_loop3A_379 : i32 to index
        %parallel_loop3A_422 = arith.constant 48 : index
        %parallel_loop3A_423 = tpu.vector_load %arg16[%parallel_loop3A_421, %parallel_loop3A_422] {strides = array<i32>} : memref<128x128xf32, #tpu.memory_space<vmem>>, vector<16xf32>,
        %parallel_loop3A_424 = arith.subf %parallel_loop3A_420, %parallel_loop3A_423 : vector<16xf32>
        %parallel_loop3A_425 = arith.mulf %parallel_loop3A_381, %parallel_loop3A_424 : vector<16xf32>
        %parallel_loop3A_426 = arith.addf %parallel_loop3A_425, %parallel_loop3A_423 : vector<16xf32>
        %parallel_loop3A_427 = arith.index_cast %parallel_loop3A_379 : i32 to index
        %parallel_loop3A_428 = arith.constant 48 : index
        %parallel_loop3A_429 = tpu.vector_load %arg17[%parallel_loop3A_427, %parallel_loop3A_428] {strides = array<i32>} : memref<128x128xf32, #tpu.memory_space<vmem>>, vector<16xf32>,
        tpu.vector_store %arg17[%parallel_loop3A_427, %parallel_loop3A_428], %parallel_loop3A_426 {strides = array<i32>} : memref<128x128xf32, #tpu.memory_space<vmem>>, vector<16xf32>,
        %parallel_loop3A_430 = arith.index_cast %parallel_loop3A_379 : i32 to index
        %parallel_loop3A_431 = arith.constant 64 : index
        %parallel_loop3A_432 = tpu.vector_load %arg17[%parallel_loop3A_430, %parallel_loop3A_431] {strides = array<i32>} : memref<128x128xf32, #tpu.memory_space<vmem>>, vector<16xf32>,
        %parallel_loop3A_433 = arith.index_cast %parallel_loop3A_379 : i32 to index
        %parallel_loop3A_434 = arith.constant 64 : index
        %parallel_loop3A_435 = tpu.vector_load %arg16[%parallel_loop3A_433, %parallel_loop3A_434] {strides = array<i32>} : memref<128x128xf32, #tpu.memory_space<vmem>>, vector<16xf32>,
        %parallel_loop3A_436 = arith.subf %parallel_loop3A_432, %parallel_loop3A_435 : vector<16xf32>
        %parallel_loop3A_437 = arith.mulf %parallel_loop3A_381, %parallel_loop3A_436 : vector<16xf32>
        %parallel_loop3A_438 = arith.addf %parallel_loop3A_437, %parallel_loop3A_435 : vector<16xf32>
        %parallel_loop3A_439 = arith.index_cast %parallel_loop3A_379 : i32 to index
        %parallel_loop3A_440 = arith.constant 64 : index
        %parallel_loop3A_441 = tpu.vector_load %arg17[%parallel_loop3A_439, %parallel_loop3A_440] {strides = array<i32>} : memref<128x128xf32, #tpu.memory_space<vmem>>, vector<16xf32>,
        tpu.vector_store %arg17[%parallel_loop3A_439, %parallel_loop3A_440], %parallel_loop3A_438 {strides = array<i32>} : memref<128x128xf32, #tpu.memory_space<vmem>>, vector<16xf32>,
        %parallel_loop3A_442 = arith.index_cast %parallel_loop3A_379 : i32 to index
        %parallel_loop3A_443 = arith.constant 80 : index
        %parallel_loop3A_444 = tpu.vector_load %arg17[%parallel_loop3A_442, %parallel_loop3A_443] {strides = array<i32>} : memref<128x128xf32, #tpu.memory_space<vmem>>, vector<16xf32>,
        %parallel_loop3A_445 = arith.index_cast %parallel_loop3A_379 : i32 to index
        %parallel_loop3A_446 = arith.constant 80 : index
        %parallel_loop3A_447 = tpu.vector_load %arg16[%parallel_loop3A_445, %parallel_loop3A_446] {strides = array<i32>} : memref<128x128xf32, #tpu.memory_space<vmem>>, vector<16xf32>,
        %parallel_loop3A_448 = arith.subf %parallel_loop3A_444, %parallel_loop3A_447 : vector<16xf32>
        %parallel_loop3A_449 = arith.mulf %parallel_loop3A_381, %parallel_loop3A_448 : vector<16xf32>
        %parallel_loop3A_450 = arith.addf %parallel_loop3A_449, %parallel_loop3A_447 : vector<16xf32>
        %parallel_loop3A_451 = arith.index_cast %parallel_loop3A_379 : i32 to index
        %parallel_loop3A_452 = arith.constant 80 : index
        %parallel_loop3A_453 = tpu.vector_load %arg17[%parallel_loop3A_451, %parallel_loop3A_452] {strides = array<i32>} : memref<128x128xf32, #tpu.memory_space<vmem>>, vector<16xf32>,
        tpu.vector_store %arg17[%parallel_loop3A_451, %parallel_loop3A_452], %parallel_loop3A_450 {strides = array<i32>} : memref<128x128xf32, #tpu.memory_space<vmem>>, vector<16xf32>,
        %parallel_loop3A_454 = arith.index_cast %parallel_loop3A_379 : i32 to index
        %parallel_loop3A_455 = arith.constant 96 : index
        %parallel_loop3A_456 = tpu.vector_load %arg17[%parallel_loop3A_454, %parallel_loop3A_455] {strides = array<i32>} : memref<128x128xf32, #tpu.memory_space<vmem>>, vector<16xf32>,
        %parallel_loop3A_457 = arith.index_cast %parallel_loop3A_379 : i32 to index
        %parallel_loop3A_458 = arith.constant 96 : index
        %parallel_loop3A_459 = tpu.vector_load %arg16[%parallel_loop3A_457, %parallel_loop3A_458] {strides = array<i32>} : memref<128x128xf32, #tpu.memory_space<vmem>>, vector<16xf32>,
        %parallel_loop3A_460 = arith.subf %parallel_loop3A_456, %parallel_loop3A_459 : vector<16xf32>
        %parallel_loop3A_461 = arith.mulf %parallel_loop3A_381, %parallel_loop3A_460 : vector<16xf32>
        %parallel_loop3A_462 = arith.addf %parallel_loop3A_461, %parallel_loop3A_459 : vector<16xf32>
        %parallel_loop3A_463 = arith.index_cast %parallel_loop3A_379 : i32 to index
        %parallel_loop3A_464 = arith.constant 96 : index
        %parallel_loop3A_465 = tpu.vector_load %arg17[%parallel_loop3A_463, %parallel_loop3A_464] {strides = array<i32>} : memref<128x128xf32, #tpu.memory_space<vmem>>, vector<16xf32>,
        tpu.vector_store %arg17[%parallel_loop3A_463, %parallel_loop3A_464], %parallel_loop3A_462 {strides = array<i32>} : memref<128x128xf32, #tpu.memory_space<vmem>>, vector<16xf32>,
        %parallel_loop3A_466 = arith.index_cast %parallel_loop3A_379 : i32 to index
        %parallel_loop3A_467 = arith.constant 112 : index
        %parallel_loop3A_468 = tpu.vector_load %arg17[%parallel_loop3A_466, %parallel_loop3A_467] {strides = array<i32>} : memref<128x128xf32, #tpu.memory_space<vmem>>, vector<16xf32>,
        %parallel_loop3A_469 = arith.index_cast %parallel_loop3A_379 : i32 to index
        %parallel_loop3A_470 = arith.constant 112 : index
        %parallel_loop3A_471 = tpu.vector_load %arg16[%parallel_loop3A_469, %parallel_loop3A_470] {strides = array<i32>} : memref<128x128xf32, #tpu.memory_space<vmem>>, vector<16xf32>,
        %parallel_loop3A_472 = arith.subf %parallel_loop3A_468, %parallel_loop3A_471 : vector<16xf32>
        %parallel_loop3A_473 = arith.mulf %parallel_loop3A_381, %parallel_loop3A_472 : vector<16xf32>
        %parallel_loop3A_474 = arith.addf %parallel_loop3A_473, %parallel_loop3A_471 : vector<16xf32>
        %parallel_loop3A_475 = arith.index_cast %parallel_loop3A_379 : i32 to index
        %parallel_loop3A_476 = arith.constant 112 : index
        %parallel_loop3A_477 = tpu.vector_load %arg17[%parallel_loop3A_475, %parallel_loop3A_476] {strides = array<i32>} : memref<128x128xf32, #tpu.memory_space<vmem>>, vector<16xf32>,
        tpu.vector_store %arg17[%parallel_loop3A_475, %parallel_loop3A_476], %parallel_loop3A_474 {strides = array<i32>} : memref<128x128xf32, #tpu.memory_space<vmem>>, vector<16xf32>,
      } {sc.loop_unroll_factor = 2 : i64, sc.parallel_access}
      "tpu.region"() ({
        %run_scoped3A = tpu.sem_alloc : memref<!tpu.dma_semaphore, #tpu.memory_space<semaphore_mem>>
        %dma_start3A_379 = tpu.memref_slice %arg12[%mul3A_186] : memref<3200xi32, #tpu.memory_space<vmem>> -> memref<128xi32, #tpu.memory_space<vmem>>
        %dma_start3A_380 = arith.constant 0 : i32
        %dma_start3A_381 = arith.constant 0 : i32
        %dma_start3A_382 = tpu.memref_slice %arg7[%dma_start3A_380, %dma_start3A_381] : memref<100000x128xf32, #tpu.memory_space<hbm>> -> memref<100000x128xf32, #tpu.memory_space<hbm>>
        tpu.enqueue_indirect_dma source(%arg17 : memref<128x128xf32, #tpu.memory_space<vmem>>) target(%dma_start3A_382 : memref<100000x128xf32, #tpu.memory_space<hbm>>) offsets(%dma_start3A_379 : memref<128xi32, #tpu.memory_space<vmem>>) semaphore(%run_scoped3A : memref<!tpu.dma_semaphore, #tpu.memory_space<semaphore_mem>>)
        %dma_wait3A_383 = tpu.memref_slice %arg12[%mul3A_186] : memref<3200xi32, #tpu.memory_space<vmem>> -> memref<128xi32, #tpu.memory_space<vmem>>
        %dma_wait3A_384 = arith.constant 0 : i32
        %dma_wait3A_385 = arith.constant 0 : i32
        %dma_wait3A_386 = tpu.memref_slice %arg7[%dma_wait3A_384, %dma_wait3A_385] : memref<100000x128xf32, #tpu.memory_space<hbm>> -> memref<100000x128xf32, #tpu.memory_space<hbm>>
        tpu.wait_indirect_dma semaphore(%run_scoped3A : memref<!tpu.dma_semaphore, #tpu.memory_space<semaphore_mem>>) src(%arg17 : memref<128x128xf32, #tpu.memory_space<vmem>>) dst(%dma_wait3A_386 : memref<100000x128xf32, #tpu.memory_space<hbm>>)
        tpu.yield
      }) : () -> ()
    }
    %dma_wait3A_174 = arith.constant 0 : i32
    %dma_wait3A_175 = tpu.memref_slice %arg19[%dma_wait3A_174] : memref<3136xi32, #tpu.memory_space<vmem>> -> memref<3032xi32, #tpu.memory_space<vmem>>
    %dma_wait3A_176 = tpu.memref_slice %arg8[%mul3A_2] : memref<100000xi32, #tpu.memory_space<hbm>> -> memref<3032xi32, #tpu.memory_space<hbm>>
    %dma_wait3A_177 = tpu.memref_slice %arg8[%mul3A_2] : memref<100000xi32, #tpu.memory_space<hbm>> -> memref<3032xi32, #tpu.memory_space<hbm>>
    %dma_wait3A_178 = arith.constant 0 : i32
    %dma_wait3A_179 = tpu.memref_slice %arg19[%dma_wait3A_178] : memref<3136xi32, #tpu.memory_space<vmem>> -> memref<3032xi32, #tpu.memory_space<vmem>>
    tpu.wait_dma2 semaphore(%arg25 : memref<!tpu.dma_semaphore, #tpu.memory_space<semaphore_mem>>) src(%dma_wait3A_179 : memref<3032xi32, #tpu.memory_space<vmem>>) dst(%dma_wait3A_177 : memref<3032xi32, #tpu.memory_space<hbm>>)
    %dma_wait3A_180 = tpu.memref_slice %arg19[%select_n3A_33] : memref<3136xi32, #tpu.memory_space<vmem>> -> memref<96xi32, #tpu.memory_space<vmem>>
    %dma_wait3A_181 = tpu.memref_slice %arg8[%add3A_28] : memref<100000xi32, #tpu.memory_space<hbm>> -> memref<96xi32, #tpu.memory_space<hbm>>
    %dma_wait3A_182 = tpu.memref_slice %arg8[%add3A_28] : memref<100000xi32, #tpu.memory_space<hbm>> -> memref<96xi32, #tpu.memory_space<hbm>>
    %dma_wait3A_183 = tpu.memref_slice %arg19[%select_n3A_33] : memref<3136xi32, #tpu.memory_space<vmem>> -> memref<96xi32, #tpu.memory_space<vmem>>
    tpu.wait_dma2 semaphore(%arg26 : memref<!tpu.dma_semaphore, #tpu.memory_space<semaphore_mem>>) src(%dma_wait3A_183 : memref<96xi32, #tpu.memory_space<vmem>>) dst(%dma_wait3A_182 : memref<96xi32, #tpu.memory_space<hbm>>)
    return
  }
}

</mosaic_0001>

<sc_bundles>
// kernel: _ema_scatter.3.cloned.1.call-start
scs
__scs_entry_jumppad:
0x0: {  	(pc) =	sbr.rel $0x88, $3  }
0x1: {  	(tag) =	ssettag $0x0;
	lr =	simm.s32 $0x1  }
0x2: {  	[smem:$0x3F9C] =	sst lr;
	_ =	strace $0xD0000000  }
0x3: {  	_ = 	snop  }
0x4: {  	_ = 	snop  }
0x5: {  	_ = 	snop  }
0x6: {  	_ = 	snop  }
0x7: {  	_ = 	snop  }
__scs_overlays_trampoline_lowered:
0x8: {  	[smem:$0x3FAB] =	sst s0  }
0x9: {  	[smem:$0x3FAC] =	sst s1  }
0xa: {  	[smem:$0x3FAD] =	sst s2  }
0xb: {  	[smem:$0x3FAE] =	sst s3  }
0xc: {  	[smem:$0x3FAF] =	sst s4  }
0xd: {  	[smem:$0x3FB0] =	sst s5  }
0xe: {  	[smem:$0x3FB1] =	sst s6  }
0xf: {  	[smem:$0x3FB2] =	sst s7  }
0x10: {  	[smem:$0x3FB3] =	sst s8  }
0x11: {  	[smem:$0x3FB4] =	sst s9;
	s0 =	simm.s32 @!p0 $0x0  }
0x12: {  	s1 =	sld [smem:$0x3F9A];
	s0 =	simm.s32 @p0 $0x1  }
0x13: {  	[smem:$0x3FB5] =	sst s0;
	s0 =	simm.s32 @!p1 $0x0  }
0x14: {  	s2 =	sld [smem:$0x3F99];
	s0 =	simm.s32 @p1 $0x1  }
0x15: {  	[smem:$0x3FB6] =	sst s0;
	s0 =	simm.s32 @!p2 $0x0  }
0x16: {  	s3 =	sld [smem:$0x3FDB];
	s0 =	simm.s32 @p2 $0x1  }
0x17: {  	s4 =	simm.s32 $0x1BF5;
	[smem:$0x3FB8] =	sst s0  }
0x18: {  	s0 =	sld [smem:$0x3F9B];
	_ =	swait.ge [sflag:s4], $0x0  }
0x19: {  	s7 =	sld [smem:$0x3F9C]  }
0x1a: {  	s8 =	sadd.s32 $0xFFFFE003, lr  }
0x1b: {  	s9 =	sadd.s32 $0xFFFFFEF7, lr;
	s5 =	simm.s32 $0xFFFFFFFF;
	p2 =	slt.u32 s8, $0xFFFFF086  }
0x1c: {  	p1 =	slt.u32 s9, $0xF7A;
	s5 =	simm.s32 @!p2 $0x0  }
0x1d: {  	s5 =	simm.s32 @p1 $0x1;
	p0 =	seq.s32 s7, s2  }
0x1e: {  	s7 =	smul.u32 @!p0 $0xF7A, s2;
	p2 =	seq.s32 @!p0 s5, $0x0  }
0x1f: {  	s9 =	smul.u32 $0xF7A, s1;
	s8 =	simm.s32 @!p0 $0x1BF5;
	p2 =	por !p2, p0  }
0x20: {  	[sflag:s8] =	ssyncset.s32 @!p0 $0xFFFFF086;
	s6 =	sadd.s32 @!p0 s3, s7;
	s7 =	simm.s32 @!p0 $0x108  }
0x21: {  	s3 =	sadd.s32 s3, s9;
	s6 =	sadd.s32 @!p0 $0x88, s6;
	s7 =	simm.s32 @p2 $0x1082  }
0x22: {  	[simem:s7], [sflag:s8] =	dma.local @!p0 [hbm:s6], $0xF7A  }
0x23: {  	s9 =	sor.u32 $0xD0000000, s2;
	s6 =	simm.s32 $0x108;
	_ =	swait.ge @!p0 [sflag:s8], $0x0  }
0x24: {  	s3 =	sadd.s32 $0x88, s3;
	s6 =	simm.s32 @!p1 $0x1082;
	[sflag:s4] =	ssyncset.s32 $0xFFFFF086  }
0x25: {  	[simem:s6], [sflag:s4] =	dma.local [hbm:s3], $0xF7A  }
0x26: {  	[smem:$0x3F9C] =	sst s1;
	(tag) =	ssettag s2;
	_ =	strace s9  }
0x27: {  	s1 =	sld [smem:$0x3FAC]  }
0x28: {  	s2 =	sld [smem:$0x3FAD]  }
0x29: {  	s4 =	sld [smem:$0x3FAF]  }
0x2a: {  	p0 =	seq.s32 s5, $0x0;
	s5 =	sld [smem:$0x3FB0]  }
0x2b: {  	s6 =	sld [smem:$0x3FB1]  }
0x2c: {  	s7 =	sld [smem:$0x3FB2]  }
0x2d: {  	s3 =	simm.s32 $0x108;
	s8 =	sld [smem:$0x3FB3]  }
0x2e: {  	s3 =	simm.s32 @!p0 $0x1082;
	s9 =	sld [smem:$0x3FB4]  }
0x2f: {  	lr =	sadd.s32 s0, s3;
	s0 =	sld [smem:$0x3FAB]  }
0x30: {  	s3 =	sld [smem:$0x3FAE]  }
0x31: {  	[smem:$0x3FB7] =	sst s10  }
0x32: {  	s10 =	sld [smem:$0x3FB5];
	_ =	sdelay $0x3  }
0x33: {  	p0 =	seq.s32 s10, $0x1;
	s10 =	sld [smem:$0x3FB7];
	_ =	sdelay $0x3  }
0x34: {  	[smem:$0x3FB7] =	sst s10  }
0x35: {  	s10 =	sld [smem:$0x3FB6];
	_ =	sdelay $0x3  }
0x36: {  	p1 =	seq.s32 s10, $0x1;
	s10 =	sld [smem:$0x3FB7];
	_ =	sdelay $0x3  }
0x37: {  	[smem:$0x3FB7] =	sst s10  }
0x38: {  	s10 =	sld [smem:$0x3FB8]  }
0x39: {  	_ = 	snop;
	(pc) =	sbr.ind lr, $3  }
0x3a: {  	_ = 	snop  }
0x3b: {  	_ = 	snop  }
0x3c: {  	p2 =	seq.s32 s10, $0x1;
	s10 =	sld [smem:$0x3FB7]  }
0x3d: {  	_ =	shalt  }
0x3e: {  	_ =	shalt  }
0x3f: {  	_ =	shalt  }
0x40: {  	_ =	shalt  }
0x41: {  	_ =	shalt  }
0x42: {  	_ =	shalt  }
0x43: {  	_ =	shalt  }
0x44: {  	_ =	shalt  }
0x45: {  	_ =	shalt  }
0x46: {  	_ =	shalt  }
0x47: {  	_ =	shalt  }
0x48: {  	_ =	shalt  }
0x49: {  	_ =	shalt  }
0x4a: {  	_ =	shalt  }
0x4b: {  	_ =	shalt  }
0x4c: {  	_ =	shalt  }
0x4d: {  	_ =	shalt  }
0x4e: {  	_ =	shalt  }
0x4f: {  	_ =	shalt  }
0x50: {  	_ =	shalt  }
0x51: {  	_ =	shalt  }
0x52: {  	_ =	shalt  }
0x53: {  	_ =	shalt  }
0x54: {  	_ =	shalt  }
0x55: {  	_ =	shalt  }
0x56: {  	_ =	shalt  }
0x57: {  	_ =	shalt  }
0x58: {  	_ =	shalt  }
0x59: {  	_ =	shalt  }
0x5a: {  	_ =	shalt  }
0x5b: {  	_ =	shalt  }
0x5c: {  	_ =	shalt  }
0x5d: {  	_ =	shalt  }
0x5e: {  	_ =	shalt  }
0x5f: {  	_ =	shalt  }
0x60: {  	_ =	shalt  }
0x61: {  	_ =	shalt  }
0x62: {  	_ =	shalt  }
0x63: {  	_ =	shalt  }
0x64: {  	_ =	shalt  }
0x65: {  	_ =	shalt  }
0x66: {  	_ =	shalt  }
0x67: {  	_ =	shalt  }
0x68: {  	_ =	shalt  }
0x69: {  	_ =	shalt  }
0x6a: {  	_ =	shalt  }
0x6b: {  	_ =	shalt  }
0x6c: {  	_ =	shalt  }
0x6d: {  	_ =	shalt  }
0x6e: {  	_ =	shalt  }
0x6f: {  	_ =	shalt  }
0x70: {  	_ =	shalt  }
0x71: {  	_ =	shalt  }
0x72: {  	_ =	shalt  }
0x73: {  	_ =	shalt  }
0x74: {  	_ =	shalt  }
0x75: {  	_ =	shalt  }
0x76: {  	_ =	shalt  }
0x77: {  	_ =	shalt  }
0x78: {  	_ =	shalt  }
0x79: {  	_ =	shalt  }
0x7a: {  	_ =	shalt  }
0x7b: {  	_ =	shalt  }
0x7c: {  	_ =	shalt  }
0x7d: {  	_ =	shalt  }
0x7e: {  	_ =	shalt  }
0x7f: {  	_ =	shalt  }
0x80: {  	_ =	shalt  }
0x81: {  	_ =	shalt  }
0x82: {  	_ =	shalt  }
0x83: {  	_ =	shalt  }
0x84: {  	_ =	shalt  }
0x85: {  	_ =	shalt  }
0x86: {  	_ =	shalt  }
0x87: {  	_ =	shalt  }
.Lfunc_end0:
.L_simem_size_0:
called_computation_lowered:
.L_overlay_start_0:
0x88: {  	s2 =	sld [smem:$0x3FD9]  }
0x89: {  	s3 =	sld [smem:$0x3FFE];
	_ =	sdelay $0x1  }
0x8a: {  	s1 =	srdreg.scid  }
0x8b: {  	s0 =	sand.u32 $0x1, s1  }
0x8c: {  	s17 =	sshll.u32 s0, $0xA;
	s2 =	sadd.s32 s3, s2  }
0x8d: {  	s2 =	sadd.s32 s2, s17  }
0x8e: {  	[smem:$0x3FC3] =	sst s2  }
0x8f: {  	_ = 	snop  }
0x90: {  	s2 =	sld [smem:$0x3FC9]  }
0x91: {  	s18 =	sld [smem:$0x3FC8]  }
0x92: {  	s4 =	sld [smem:$0x3FC7]  }
0x93: {  	s5 =	sld [smem:$0x3FC6]  }
0x94: {  	s6 =	sld [smem:$0x3FC5]  }
0x95: {  	s7 =	sld [smem:$0x3FD0];
	(tm) =	ssettm $0x1  }
0x96: {  	s8 =	sld [smem:$0x3FFB];
	_ =	sdelay $0x3  }
0x97: {  	_ =	strace s8  }
0x98: {  	s8 =	sld [smem:$0x3FFC];
	_ =	sdelay $0x3  }
0x99: {  	_ =	strace s8  }
0x9a: {  	s8 =	sld [smem:$0x3FFD];
	_ =	sdelay $0x3  }
0x9b: {  	_ =	strace s8  }
0x9c: {  	_ =	strace $0x8FFFFFFF  }
0x9d: {  	s19 =	sld [smem:$0x3FDB];
	_ =	sdelay $0x1  }
0x9e: {  	s9 =	simm.s32 $_scs_section_size  }
0x9f: {  	s10 =	simm.s32 $_size__tile_overlayer_lowered;
	s11 =	simm.s32 $_tile_overlayer_lowered  }
0xa0: {  	s22 =	simm.s32 $0x1BFF;
	s21 =	sshll.u32 s11, $0x1;
	s8 =	sadd.s32 s9, s19  }
0xa1: {  	s12 =	simm.s32 $0x0;
	s20 =	sshll.u32 s10, $0x1;
	s10 =	sadd.s32 s21, s8  }
0xa2: {  	[timem:s12], [sflag:s22] =	dma.local [hbm:s10], s20  }
0xa3: {  	_ =	swait.ge [sflag:s22], s20  }
0xa4: {  	s9 =	ssub.s32 $0x0, s20;
	[sflag:s22] =	ssyncset.done $0x0  }
0xa5: {  	[sflag:s22] =	ssyncadd.s32 s9;
	_ =	sdelay $0x1  }
0xa6: {  	s23 =	simm.s32 $0x1B8B  }
0xa7: {  	_ =	swait.ge [sflag:s23], $0x1  }
0xa8: {  	[sflag:s23] =	ssyncset.done $0x0  }
0xa9: {  	s25 =	simm.s32 $0x1B8E;
	s24 =	sld [smem:$0x3FFE];
	[sflag:s23] =	ssyncadd.s32 $0xFFFFFFFF  }
0xaa: {  	s26 =	simm.s32 $execute0_lowered;
	[smem:$0x3FD2] =	sst s25  }
0xab: {  	s10 =	sshll.u32 s26, $0x1;
	_ =	strace $0x80000046;
	[dreg:$0x1] =	wrdreg $0xFFFFFFFF  }
0xac: {  	s28 =	simm.s32 $_size_execute0_lowered;
	s8 =	sadd.s32 s8, s10;
	[dreg:$0x0] =	wrdreg $0x0  }
0xad: {  	s10 =	sshll.u32 s28, $0x1;
	[dreg:$0x2] =	wrdreg s8  }
0xae: {  	[dreg:$0x3] =	wrdreg s10  }
0xaf: {  	[dreg:$0x4] =	wrdreg $0xC0  }
0xb0: {  	_ =	task [dreg:s12], $0x5FFFF  }
0xb1: {  	[dreg:$0x1] =	wrdreg $0xFFFFFFFF  }
0xb2: {  	[dreg:$0x0] =	wrdreg $0x60  }
0xb3: {  	[dreg:$0x2] =	wrdreg s2  }
0xb4: {  	[dreg:$0x3] =	wrdreg s18  }
0xb5: {  	[dreg:$0x4] =	wrdreg s4  }
0xb6: {  	[dreg:$0x5] =	wrdreg s5  }
0xb7: {  	[dreg:$0x6] =	wrdreg s6  }
0xb8: {  	[dreg:$0x7] =	wrdreg s7  }
0xb9: {  	[dreg:$0x8] =	wrdreg s24  }
0xba: {  	[dreg:$0x9] =	wrdreg $0x9  }
0xbb: {  	_ =	task.clear_ibuf [dreg:s12], $0xAFFFF;
	_ =	strace $0x90000046  }
0xbc: {  	s29 =	simm.s32 $0x9;
	_ =	strace $0x80000048  }
0xbd: {  	_ =	swait.ge [sflag:s29], $0x1  }
0xbe: {  	[sflag:s29] =	ssyncadd.s32 $0xFFFFFFFF  }
0xbf: {  	_ =	strace $0x90000048  }
0xc0: {  	_ =	sfence  }
0xc1: {  	s30 =	sld [smem:$0x0];
	_ =	sdelay $0x2  }
0xc2: {  	s31 =	sshll.u32 s1, $0xD;
	s1 =	sshrl.u32 s1, $0x2  }
0xc3: {  	s3 =	sand.u32 $0x4000, s31;
	s1 =	sadd.s32 s1, s30  }
0xc4: {  	s0 =	sor.u32 s3, s0;
	s1 =	sshll.u32 s1, $0x11  }
0xc5: {  	s0 =	sor.u32 s1, s0  }
0xc6: {  	s0 =	sadd.s32 $0x8F2B, s0  }
0xc7: {  	[sflag:s0] =	ssyncadd.remote.s32 $0x1  }
0xc8: {  	_ =	sfence.sel $0xFFFF  }
0xc9: {  	[dreg:$0x0] =	wrdreg $0xFFFFFFFF;
	(pc) =	sbr.abs _section_cstart, $3  }
0xca: {  	[dreg:$0x1] =	wrdreg $0xFFFFFFFF  }
0xcb: {  	_ =	task.clear_ibuf [dreg:s12], $0x2FFFF;
	_ =	strace $0x9FFFFFFF  }
0xcc: {  	(tm) =	ssettm $0x7FFFFFFF  }
0xcd: {  	_ =	shalt  }
tec
execute0_lowered:
.L_overlay_start_1:
0x0: {  	(tag) =	ssettag $0x1  }
0x1: {  	s1 =	rddreg [dreg:$0x1]  }
0x2: {  	s3 =	rddreg [dreg:$0x3]  }
0x3: {  	s5 =	rddreg [dreg:$0x5]  }
0x4: {  	s2 =	rddreg [dreg:$0x6];
	v0 =	vimm.s32 $0xFEDCBA9;
	v1 =	vimm.s32 $0x87654321;
	s6 =	simm.s32 $0x0  }
0x5: {  	s4 =	srdreg.scid;
	s0 =	stileid.u32;
	v4 =	vimm.s32 $0x14131211;
	v7 =	vimm.s32 $0x202F2E2D;
	s10 =	simm.s32 $0x4000;
	v0 =	vunpack.c.l.s4.s8 v0  }
0x6: {  	vm0 =	vcmask $0x1F10;
	s14 =	simm.s32 $0x13280;
	s15 =	simm.s32 $0x8000;
	v9 =	vimm.s32 $0x38373635;
	s28 =	simm.s32 $0x4  }
0x7: {  	s29 =	simm.s32 $0x5;
	v1 =	vunpack.c.l.s4.s8 v1;
	s4 =	sand.u32 $0x1, s4;
	s18 =	sshll.u32 s0, $0x1;
	v2 =	vunpack.c.0.s8.s32 v0;
	v0 =	vimm.s32 $0x1C1B1A19  }
0x8: {  	s30 =	simm.s32 $0xB200;
	v4 =	vunpack.c.0.s8.s32 v4;
	s7 =	ssub.s32 $0x2, s4;
	s4 =	sor.u32 s4, s18;
	v3 =	vunpack.c.0.s8.s32 v0;
	v0 =	vimm.s32 $0x101F1E1D  }
0x9: {  	s31 =	simm.s32 $0x8;
	[smem:$0x7FF] =	sst s6;
	v7 =	vunpack.c.0.s8.s32 v7;
	s8 =	smul.u32 $0xC38, s4;
	v5 =	vunpack.c.0.s8.s32 v0;
	v0 =	vimm.s32 $0x18171615  }
0xa: {  	s2 =	sadd.s32 $0x800, s2;
	_ =	strace $0x80000047;
	v1 =	vunpack.c.0.s8.s32 v1;
	s19 =	sshrl.u32 s7, $0x1;
	v6 =	vunpack.c.0.s8.s32 v0;
	v0 =	vimm.s32 $0x2C2B2A29  }
0xb: {  	v9 =	vunpack.c.0.s8.s32 v9;
	p0 =	seq.s32 s4, $0x1F;
	s4 =	simm.s32 $0x0;
	s6 =	ssub.s32 s7, s19;
	v8 =	vunpack.c.0.s8.s32 v0;
	v0 =	vmov s8  }
0xc: {  	s4 =	simm.s32 @!p0 $0xBD8;
	s19 =	simm.s32 $0x0;
	s20 =	smin.u32 s8, $0x17A68;
	v3 =	vsel vm0, v5, v3;
	v4 =	vsel vm0, v6, v4;
	v6 =	vcombine.low v1, v2  }
0xd: {  	s9 =	smin.u32 s8, $0x17A60;
	s12 =	sadd.s32 s8, s4;
	s13 =	sshrl.u32 s8, $0x3;
	v2 =	vimm.s32 $0x24232221;
	v1 =	vcombine.low v4, v3;
	v7 =	vsel vm0, v7, v8  }
0xe: {  	s21 =	sadd.s32 $0x13300, s4;
	s26 =	smax.u32 s6, $0x1;
	s7 =	sadd.s32 $0xC38, s20;
	v3 =	vimm.s32 $0x28272625;
	v4 =	vimm.s32 $0x3C3B3A39;
	v5 =	vunpack.c.0.s8.s32 v2  }
0xf: {  	s11 =	sshrl.u32 s9, $0x3;
	[dreg:$0x8] =	wrdreg s21;
	s23 =	sadd.s32 s2, s13;
	v2 =	vimm.s32 $0x303F3E3D;
	v8 =	vimm.s32 $0x34333231;
	v3 =	vunpack.c.0.s8.s32 v3  }
.Ltmp0:
0x10: {  	s24 =	sshrl.u32 s12, $0x3;
	s13 =	simm.s32 $0xA580;
	v4 =	vunpack.c.0.s8.s32 v4;
	v10 =	vunpack.c.0.s8.s32 v2;
	v8 =	vunpack.c.0.s8.s32 v8;
	(pc) =	sbr.rel .LBB2_1-.Ltmp0, $4  }
0x11: {  	[dreg:$0xc] =	wrdreg s26;
	s20 =	simm.s32 $0x8C80;
	s21 =	simm.s32 $0x9900;
	v2 =	vmov s7;
	v6 =	vand.u32 $0xF, v6;
	v11 =	vsel vm0, v3, v5  }
0x12: {  	s26 =	simm.s32 $0xF280;
	s22 =	sadd.s32 s1, s11;
	[dreg:$0xa] =	wrdreg s23;
	v3 =	vmov s9;
	v10 =	vsel vm0, v10, v4;
	v4 =	vimm.s32 $0xFFFFFFFF  }
0x13: {  	s25 =	sadd.s32 s2, s24;
	s24 =	simm.s32 $0x80;
	[dreg:$0x9] =	wrdreg s22;
	v8 =	vsel vm0, v9, v8;
	v5 =	vlaneseq.u32;
	vm0 =	vcmask $0x3F3C  }
0x14: {  	s2 =	simm.s32 $0x0;
	[dreg:$0xb] =	wrdreg s25;
	s25 =	simm.s32 $0xB280;
	v9 =	vimm.s32 $0x0;
	v7 =	vcombine.low v11, v7;
	v8 =	vcombine.low v8, v10  }
.LBB2_13:
0x15: {  	s0 =	simm.s32 $0x6  }
0x16: {  	_ =	swait.ge [sflag:s0], $0xBD8  }
0x17: {  	[sflag:s0] =	ssyncset.done $0x0  }
0x18: {  	s1 =	simm.s32 $0x7;
	[sflag:s0] =	ssyncadd.s32 $0xFFFFF428  }
0x19: {  	_ =	swait.ge [sflag:s1], $0x60  }
0x1a: {  	s2 =	rddreg [dreg:$0xd]  }
0x1b: {  	s23 =	rddreg [dreg:$0xc];
	s2 =	sadd.s32 $0x1, s2  }
0x1c: {  	p0 =	sne.s32 s2, s23  }
.Ltmp1:
0x1d: {  	_ = 	snop;
	(pc) =	sbr.rel @!p0 .LBB2_14-.Ltmp1, $3  }
0x1e: {  	_ =	sdelay $0x1  }
0x1f: {  	[sflag:s1] =	ssyncset.done $0x0  }
0x20: {  	[sflag:s1] =	ssyncadd.s32 $0xFFFFFFA0  }
.LBB2_1:
0x21: {  	s0 =	rddreg [dreg:$0x2];
	s1 =	simm.s32 $0x0  }
0x22: {  	[tilespmem:s1], [sflag:$0x1] =	stream.linear.gather [hbm4b:s0+s1], $0x4000, $0x38;
	[tilespmem:$0x13F80] =	vst v63  }
0x23: {  	s22 =	rddreg [dreg:$0x4]  }
0x24: {  	[tilespmem:s10], [sflag:$0x2] =	stream.linear.gather [hbm4b:s22+s1], $0x4000, $0x38;
	[tilespmem:$0x13F80] =	vst v63  }
0x25: {  	s23 =	rddreg [dreg:$0x9]  }
0x26: {  	[tilespmem:s13], [sflag:$0x3] =	stream.linear.gather [hbm4b:s23+s1], $0xC40, $0x38;
	[tilespmem:$0x13F80] =	vst v63  }
0x27: {  	[dreg:$0xd] =	wrdreg s2;
	s1 =	simm.s32 $0x8020  }
0x28: {  	[tilespmem:s1+$0xFFFFFFE0] =	vst v4  }
0x29: {  	[tilespmem:s1+$0x10] =	vst v4  }
0x2a: {  	s2 =	simm.s32 $0x0;
	[tilespmem:s1+$0x0] =	vst v4  }
.LBB2_2:
0x2b: {  	s2 =	sadd.s32 $0x4, s2  }
0x2c: {  	[tilespmem:s1+$0xFFFFFFF0] =	vst v4;
	s1 =	sadd.s32 $0x40, s1;
	p0 =	slt.u32 s2, $0xC0  }
.Ltmp2:
0x2d: {  	[tilespmem:s1+$0xFFFFFFE0] =	vst v4;
	(pc) =	sbr.rel @p0 .LBB2_2-.Ltmp2, $3  }
0x2e: {  	_ =	sdelay $0x1  }
0x2f: {  	[tilespmem:s1+$0x10] =	vst v4  }
0x30: {  	[tilespmem:s1+$0x0] =	vst v4  }
0x31: {  	[tilespmem:s1+$0xFFFFFFF0] =	vst v4;
	s0 =	simm.s32 $0x1  }
0x32: {  	_ =	swait.ge [sflag:s0], $0x4000  }
0x33: {  	[sflag:s0] =	ssyncset.done $0x0  }
0x34: {  	s1 =	simm.s32 $0x0;
	s2 =	simm.s32 $0x20;
	[sflag:s0] =	ssyncadd.s32 $0xFFFFC000  }
.LBB2_4:
0x35: {  	v10 =	vld [tilespmem:s2+$0xFFFFFFE0];
	_ =	sdelay $0x4  }
0x36: {  	v11 =	vsub.s32 v10, v0  }
0x37: {  	v11 =	vshll.u32 v11, $0xE  }
0x38: {  	vm1 =	vge.s32 v10, v0;
	vm2 =	vlt.s32 v10, v2;
	v10 =	vadd.s32 s1, v11  }
0x39: {  	vm1 =	vmand vm1, vm2;
	v10 =	vadd.s32 v5, v10  }
0x3a: {  	v10 =	vnsel vm1, $0xFFFFFFFF, v10  }
0x3b: {  	v11 =	vxor.u32 $0x80000000, v10  }
0x3c: {  	(xrf1) =	vsort.ascd.msk.u32 $0xffff, v11, v10;
	_ =	sdelay $0xd  }
0x3d: {  	v10, _, _ =	vpop (xrf1)  }
0x3e: {  	v11 =	vxor.u32 $0x80000000, v10  }
0x3f: {  	[tilespmem:$0x13280] =	vst v11  }
0x40: {  	v12 =	vld.idx.msk [tilespmem:v6+s14+$0x0], $0xffff;
	_ =	sdelay $0x4  }
0x41: {  	v11 =	vshra.s32 v11, $0xE;
	v12 =	vshra.s32 v12, $0xE  }
0x42: {  	vm1 =	vne.s32 v11, v12  }
0x43: {  	vm2 =	vlt.s32 v10, $0x0;
	vm1 =	vmor vm1, vm0  }
0x44: {  	vm1 =	vmand vm2, vm1;
	_ =	sdelay $0x4  }
0x45: {  	v10 =	vand.u32 $0x3FFF, v10  }
0x46: {  	[tilespmem:v11+s15+$0x0] =	vst.idx.msk vm1, v10  }
0x47: {  	v10 =	vld [tilespmem:s2+$0xFFFFFFF0];
	_ =	sdelay $0x4  }
0x48: {  	v11 =	vsub.s32 v10, v0  }
0x49: {  	s4 =	sadd.s32 $0x10, s1;
	v11 =	vshll.u32 v11, $0xE  }
0x4a: {  	vm1 =	vge.s32 v10, v0;
	vm2 =	vlt.s32 v10, v2;
	v10 =	vadd.s32 s4, v11  }
0x4b: {  	vm1 =	vmand vm1, vm2;
	v10 =	vadd.s32 v5, v10  }
0x4c: {  	v10 =	vnsel vm1, $0xFFFFFFFF, v10  }
0x4d: {  	v11 =	vxor.u32 $0x80000000, v10  }
0x4e: {  	(xrf1) =	vsort.ascd.msk.u32 $0xffff, v11, v10;
	_ =	sdelay $0xd  }
0x4f: {  	v10, _, _ =	vpop (xrf1)  }
0x50: {  	v11 =	vxor.u32 $0x80000000, v10  }
0x51: {  	[tilespmem:$0x13290] =	vst v11  }
0x52: {  	v61 =	vld.idx.msk [tilespmem:v1+s14+$0x0], $0xffff;
	_ =	sdelay $0x4  }
0x53: {  	v11 =	vshra.s32 v11, $0xE;
	v12 =	vshra.s32 v61, $0xE  }
0x54: {  	vm1 =	vne.s32 v11, v12  }
0x55: {  	vm2 =	vlt.s32 v10, $0x0;
	vm1 =	vmor vm1, vm0  }
0x56: {  	vm1 =	vmand vm2, vm1;
	_ =	sdelay $0x4  }
0x57: {  	v10 =	vand.u32 $0x3FFF, v10  }
0x58: {  	[tilespmem:v11+s15+$0x0] =	vst.idx.msk vm1, v10  }
0x59: {  	v10 =	vld [tilespmem:s2+$0x0];
	_ =	sdelay $0x4  }
0x5a: {  	v11 =	vsub.s32 v10, v0  }
0x5b: {  	s22 =	sadd.s32 $0x20, s1;
	v11 =	vshll.u32 v11, $0xE  }
0x5c: {  	vm1 =	vge.s32 v10, v0;
	vm2 =	vlt.s32 v10, v2;
	v10 =	vadd.s32 s22, v11  }
0x5d: {  	vm1 =	vmand vm1, vm2;
	v10 =	vadd.s32 v5, v10  }
0x5e: {  	v10 =	vnsel vm1, $0xFFFFFFFF, v10  }
0x5f: {  	v11 =	vxor.u32 $0x80000000, v10  }
0x60: {  	(xrf1) =	vsort.ascd.msk.u32 $0xffff, v11, v10;
	_ =	sdelay $0xd  }
0x61: {  	v10, _, _ =	vpop (xrf1)  }
0x62: {  	v11 =	vxor.u32 $0x80000000, v10  }
0x63: {  	[tilespmem:$0x132A0] =	vst v11  }
0x64: {  	v62 =	vld.idx.msk [tilespmem:v7+s14+$0x0], $0xffff;
	_ =	sdelay $0x4  }
0x65: {  	v11 =	vshra.s32 v11, $0xE;
	v12 =	vshra.s32 v62, $0xE  }
0x66: {  	vm1 =	vne.s32 v11, v12  }
0x67: {  	vm2 =	vlt.s32 v10, $0x0;
	vm1 =	vmor vm1, vm0  }
0x68: {  	vm1 =	vmand vm2, vm1;
	_ =	sdelay $0x4  }
0x69: {  	v10 =	vand.u32 $0x3FFF, v10  }
0x6a: {  	[tilespmem:v11+s15+$0x0] =	vst.idx.msk vm1, v10  }
0x6b: {  	v10 =	vld [tilespmem:s2+$0x10];
	_ =	sdelay $0x4  }
0x6c: {  	v11 =	vsub.s32 v10, v0  }
0x6d: {  	s23 =	sadd.s32 $0x30, s1;
	v11 =	vshll.u32 v11, $0xE  }
0x6e: {  	vm1 =	vge.s32 v10, v0;
	vm2 =	vlt.s32 v10, v2;
	v10 =	vadd.s32 s23, v11  }
0x6f: {  	vm1 =	vmand vm1, vm2;
	v10 =	vadd.s32 v5, v10  }
0x70: {  	v10 =	vnsel vm1, $0xFFFFFFFF, v10  }
0x71: {  	v11 =	vxor.u32 $0x80000000, v10  }
0x72: {  	(xrf1) =	vsort.ascd.msk.u32 $0xffff, v11, v10;
	_ =	sdelay $0xd  }
0x73: {  	v10, _, _ =	vpop (xrf1)  }
0x74: {  	v11 =	vxor.u32 $0x80000000, v10  }
0x75: {  	[tilespmem:$0x132B0] =	vst v11  }
0x76: {  	v63 =	vld.idx.msk [tilespmem:v8+s14+$0x0], $0xffff;
	_ =	sdelay $0x4  }
0x77: {  	v11 =	vshra.s32 v11, $0xE;
	v12 =	vshra.s32 v63, $0xE  }
0x78: {  	vm1 =	vne.s32 v11, v12  }
0x79: {  	vm2 =	vlt.s32 v10, $0x0;
	vm1 =	vmor vm1, vm0  }
0x7a: {  	vm1 =	vmand vm2, vm1  }
0x7b: {  	p0 =	sne.s32 s1, $0x3FC0  }
.Ltmp3:
0x7c: {  	_ = 	snop;
	(pc) =	sbr.rel @p0 .LBB2_4-.Ltmp3, $3  }
0x7d: {  	_ =	sdelay $0x1  }
0x7e: {  	v10 =	vand.u32 $0x3FFF, v10  }
0x7f: {  	s1 =	sadd.s32 $0x40, s1;
	s2 =	sadd.s32 $0x40, s2;
	[tilespmem:v11+s15+$0x0] =	vst.idx.msk vm1, v10  }
0x80: {  	s1 =	simm.s32 $0x8020  }
0x81: {  	v10 =	vld [tilespmem:s1+$0xFFFFFFE0]  }
0x82: {  	v12 =	vld [tilespmem:s1+$0x10]  }
0x83: {  	v13 =	vld [tilespmem:s1+$0x0]  }
0x84: {  	v14 =	vld [tilespmem:s1+$0xFFFFFFF0];
	_ =	sdelay $0x1  }
0x85: {  	s2 =	simm.s32 $0x8060;
	vm1 =	vgt.s32 v10, $0xFFFFFFFF  }
0x86: {  	s1 =	simm.s32 $0x13320;
	v11 =	vld [tilespmem:s2+$0xFFFFFFE0];
	v15 =	vsel vm1, $0x1, v9;
	vm1 =	vgt.s32 v12, $0xFFFFFFFF  }
0x87: {  	v10 =	vld [tilespmem:s2+$0x10];
	vm2 =	vgt.s32 v13, $0xFFFFFFFF;
	[tilespmem:s1+$0xFFFFFFE0] =	vst v15;
	v13 =	vsel vm1, $0x1, v9  }
0x88: {  	v12 =	vld [tilespmem:s2+$0x0];
	vm1 =	vgt.s32 v14, $0xFFFFFFFF;
	v15 =	vsel vm2, $0x1, v9;
	[tilespmem:s1+$0x10] =	vst v13  }
0x89: {  	s4 =	simm.s32 $0x4;
	v13 =	vld [tilespmem:s2+$0xFFFFFFF0];
	v14 =	vsel vm1, $0x1, v9;
	[tilespmem:s1+$0x0] =	vst v15  }
.LBB2_6:
0x8a: {  	s4 =	sadd.s32 $0x4, s4  }
0x8b: {  	[tilespmem:s1+$0xFFFFFFF0] =	vst v14;
	s1 =	sadd.s32 $0x40, s1;
	p0 =	slt.u32 s4, $0xC0  }
.Ltmp4:
0x8c: {  	s2 =	sadd.s32 $0x40, s2;
	vm1 =	vgt.s32 v11, $0xFFFFFFFF;
	(pc) =	sbr.rel @p0 .LBB2_6-.Ltmp4, $4  }
0x8d: {  	v11 =	vld [tilespmem:s2+$0xFFFFFFE0];
	v14 =	vsel vm1, $0x1, v9;
	vm1 =	vgt.s32 v10, $0xFFFFFFFF  }
0x8e: {  	v10 =	vld [tilespmem:s2+$0x10];
	[tilespmem:s1+$0xFFFFFFE0] =	vst v14;
	vm2 =	vgt.s32 v12, $0xFFFFFFFF;
	v14 =	vsel vm1, $0x1, v9  }
0x8f: {  	v12 =	vld [tilespmem:s2+$0x0];
	vm1 =	vgt.s32 v13, $0xFFFFFFFF;
	v15 =	vsel vm2, $0x1, v9;
	[tilespmem:s1+$0x10] =	vst v14  }
0x90: {  	v13 =	vld [tilespmem:s2+$0xFFFFFFF0];
	v14 =	vsel vm1, $0x1, v9;
	[tilespmem:s1+$0x0] =	vst v15  }
0x91: {  	_ = 	snop  }
0x92: {  	vm1 =	vgt.s32 v11, $0xFFFFFFFF  }
0x93: {  	[tilespmem:s1+$0xFFFFFFF0] =	vst v14;
	s16 =	sadd.s32 $0x40, s1;
	v11 =	vsel vm1, $0x1, v9;
	vm1 =	vgt.s32 v10, $0xFFFFFFFF  }
0x94: {  	[tilespmem:s16+$0xFFFFFFE0] =	vst v11;
	vm2 =	vgt.s32 v12, $0xFFFFFFFF;
	v10 =	vsel vm1, $0x1, v9  }
0x95: {  	vm1 =	vgt.s32 v13, $0xFFFFFFFF;
	v11 =	vsel vm2, $0x1, v9;
	[tilespmem:s16+$0x10] =	vst v10  }
0x96: {  	v10 =	vsel vm1, $0x1, v9;
	[tilespmem:s16+$0x0] =	vst v11  }
0x97: {  	[tilespmem:s16+$0xFFFFFFF0] =	vst v10  }
0x98: {  	s0 =	rddreg [dreg:$0xa]  }
0x99: {  	s1 =	simm.s32 $0x0;
	s2 =	simm.s32 $0x13300;
	s17 =	rddreg [dreg:$0x8]  }
0x9a: {  	[hbm4b:s0+s1] =	stream.linear.scatter [tilespmem:s2], [sflag:$0x6], $0xBD8, $0x38;
	[tilespmem:$0x13F80] =	vst v63  }
0x9b: {  	s22 =	simm.s32 $0x8000;
	s18 =	rddreg [dreg:$0xb]  }
0x9c: {  	[hbm4b:s18+s1] =	stream.linear.scatter [tilespmem:s17], [sflag:$0x7], $0x60, $0x38;
	[tilespmem:$0x13F80] =	vst v63  }
0x9d: {  	v10 =	vld [tilespmem:s22+$0x0];
	_ =	sdelay $0x4  }
0x9e: {  	vm1 =	vgt.s32 v10, $0xFFFFFFFF  }
0x9f: {  	v11 =	vsel vm1, $0x1, v9  }
0xa0: {  	(xrf0) =	vadd.scan.msk.s32 $0xffff, v11;
	_ =	sdelay $0x2  }
0xa1: {  	v11 =	vmov s1  }
0xa2: {  	v11 =	vadd.s32 $0xFFFFFFFF, v11  }
0xa3: {  	v11 =	vbroadcast v11, $0x0  }
0xa4: {  	v62, _, _ =	vpop (xrf0)  }
0xa5: {  	v11 =	vadd.s32 v62, v11;
	(v2sf) =	vpush v62, $0xF  }
0xa6: {  	vm2 =	vlt.s32 v11, $0xC7F  }
0xa7: {  	v11 =	vnsel vm2, $0xC7F, v11;
	_ =	sdelay $0x2  }
0xa8: {  	s23 =	sadd.s32 $0x0, s8  }
0xa9: {  	v63 =	vadd.s32 s23, v5  }
0xaa: {  	[tilespmem:v11+s20+$0x0] =	vst.idx.msk vm1, v63  }
0xab: {  	s4 =	simm.s32 $0x8010;
	[tilespmem:v11+s21+$0x0] =	vst.idx.msk vm1, v10  }
0xac: {  	s6 =	simm.s32 $0x20;
	s2 =	simm.s32 $0x10;
	v10 =	vld [tilespmem:s4+$0x0]  }
.LBB2_8:
0xad: {  	p0 =	sne.s32 s6, $0xC30;
	_ =	sdelay $0x3  }
0xae: {  	vm1 =	vgt.s32 v10, $0xFFFFFFFF  }
0xaf: {  	v11 =	vsel vm1, $0x1, v9;
	s7 =	spop (v2sf)  }
0xb0: {  	(xrf0) =	vadd.scan.msk.s32 $0xffff, v11;
	s1 =	sadd.s32 s1, s7  }
0xb1: {  	v11 =	vmov s1  }
0xb2: {  	v11 =	vadd.s32 $0xFFFFFFFF, v11  }
0xb3: {  	v11 =	vbroadcast v11, $0x0;
	_ =	sdelay $0x2  }
0xb4: {  	v12, _, _ =	vpop (xrf0)  }
0xb5: {  	v11 =	vadd.s32 v12, v11;
	(v2sf) =	vpush v12, $0xF  }
0xb6: {  	vm2 =	vlt.s32 v11, $0xC7F  }
0xb7: {  	v11 =	vnsel vm2, $0xC7F, v11;
	_ =	sdelay $0x2  }
.Ltmp5:
0xb8: {  	s7 =	sadd.s32 s8, s2;
	s2 =	smov.u32 s6;
	(pc) =	sbr.rel @p0 .LBB2_8-.Ltmp5, $4  }
0xb9: {  	v12 =	vadd.s32 s7, v5  }
0xba: {  	[tilespmem:v11+s20+$0x0] =	vst.idx.msk vm1, v12  }
0xbb: {  	s4 =	sadd.s32 $0x10, s4;
	[tilespmem:v11+s21+$0x0] =	vst.idx.msk vm1, v10  }
0xbc: {  	s6 =	sadd.s32 $0x10, s6;
	v10 =	vld [tilespmem:s4+$0x0]  }
0xbd: {  	_ =	sdelay $0x3  }
0xbe: {  	vm1 =	vgt.s32 v10, $0xFFFFFFFF  }
0xbf: {  	v11 =	vsel vm1, $0x1, v9  }
0xc0: {  	(xrf0) =	vadd.scan.msk.s32 $0xffff, v11;
	_ =	sdelay $0x5  }
0xc1: {  	v11, _, _ =	vpop (xrf0)  }
0xc2: {  	(v2sf) =	vpush v11, $0xF;
	_ =	sdelay $0xb  }
0xc3: {  	s4 =	spop (v2sf)  }
0xc4: {  	s1 =	sadd.s32 s1, s4  }
0xc5: {  	v12 =	vmov s1  }
0xc6: {  	v12 =	vadd.s32 $0xFFFFFFFF, v12;
	s17 =	spop (v2sf)  }
0xc7: {  	v12 =	vbroadcast v12, $0x0;
	s4 =	sadd.s32 s1, s17  }
0xc8: {  	s1 =	sadd.s32 $0xFFFFFFFF, s4  }
0xc9: {  	v11 =	vadd.s32 v11, v12;
	p0 =	sgt.s32 s1, $0x0  }
0xca: {  	vm2 =	vlt.s32 v11, $0xC7F;
	s1 =	simm.s32 @!p0 $0x0  }
0xcb: {  	v11 =	vnsel vm2, $0xC7F, v11;
	v54 =	vmov s1  }
0xcc: {  	v12 =	vbroadcast v54, $0x0;
	_ =	sdelay $0x1  }
0xcd: {  	s18 =	sadd.s32 s8, s2;
	s22 =	ssub.s32 $0x0, s4  }
0xce: {  	v13 =	vadd.s32 s18, v5;
	s23 =	sand.u32 $0x7F, s22  }
0xcf: {  	[tilespmem:v11+s20+$0x0] =	vst.idx.msk vm1, v13;
	v55 =	vadd.s32 s4, v5;
	s1 =	sadd.s32 s4, s23  }
0xd0: {  	[tilespmem:v11+s21+$0x0] =	vst.idx.msk vm1, v10;
	s0 =	sadd.s32 $0x10, s4;
	vm2 =	vlt.s32 v55, $0xC7F;
	vm1 =	vlt.s32 v55, s1  }
0xd1: {  	v56 =	vadd.s32 s0, v5;
	v11 =	vnsel vm2, $0xC7F, v55;
	v10 =	vld.idx.msk [tilespmem:v12+s20+$0x0], $0xffff  }
0xd2: {  	s6 =	sadd.s32 $0x20, s4;
	vm3 =	vlt.s32 v56, $0xC7F;
	vm2 =	vlt.s32 v56, s1;
	v12 =	vld.idx.msk [tilespmem:v12+s21+$0x0], $0xffff  }
0xd3: {  	v14 =	vadd.s32 s6, v5;
	v13 =	vnsel vm3, $0xC7F, v56  }
0xd4: {  	s7 =	sadd.s32 $0x30, s4;
	vm4 =	vlt.s32 v14, $0xC7F;
	vm3 =	vlt.s32 v14, s1  }
0xd5: {  	v15 =	vadd.s32 s7, v5;
	v14 =	vnsel vm4, $0xC7F, v14  }
0xd6: {  	s9 =	sadd.s32 $0x40, s4;
	vm5 =	vlt.s32 v15, $0xC7F;
	vm10 =	vlt.s32 v15, s1;
	[tilespmem:v11+s20+$0x0] =	vst.idx.msk vm1, v10  }
0xd7: {  	v57 =	vadd.s32 s9, v5;
	[tilespmem:v11+s21+$0x0] =	vst.idx.msk vm1, v12;
	v11 =	vnsel vm5, $0xC7F, v15  }
0xd8: {  	s11 =	sadd.s32 $0x50, s4;
	vm11 =	vlt.s32 v57, $0xC7F;
	vm1 =	vlt.s32 v57, s1;
	[tilespmem:v13+s20+$0x0] =	vst.idx.msk vm2, v10  }
0xd9: {  	v59 =	vadd.s32 s11, v5;
	v58 =	vnsel vm11, $0xC7F, v57;
	[tilespmem:v13+s21+$0x0] =	vst.idx.msk vm2, v12  }
0xda: {  	s12 =	sadd.s32 $0x60, s4;
	vm12 =	vlt.s32 v59, $0xC7F;
	vm2 =	vlt.s32 v59, s1;
	[tilespmem:v14+s20+$0x0] =	vst.idx.msk vm3, v10  }
0xdb: {  	v61 =	vadd.s32 s12, v5;
	v60 =	vnsel vm12, $0xC7F, v59;
	[tilespmem:v14+s21+$0x0] =	vst.idx.msk vm3, v12  }
0xdc: {  	s16 =	sadd.s32 $0x70, s4;
	vm13 =	vlt.s32 v61, $0xC7F;
	vm3 =	vlt.s32 v61, s1;
	[tilespmem:v11+s20+$0x0] =	vst.idx.msk vm10, v10  }
0xdd: {  	v62 =	vadd.s32 s16, v5;
	[tilespmem:v11+s21+$0x0] =	vst.idx.msk vm10, v12;
	v11 =	vnsel vm13, $0xC7F, v61  }
0xde: {  	vm15 =	vlt.s32 v62, $0xC7F;
	vm14 =	vlt.s32 v62, s1;
	[tilespmem:v58+s20+$0x0] =	vst.idx.msk vm1, v10  }
0xdf: {  	v63 =	vnsel vm15, $0xC7F, v62;
	[tilespmem:v58+s21+$0x0] =	vst.idx.msk vm1, v12  }
0xe0: {  	s17 =	sand.u32 $0x7F, s1;
	[tilespmem:v60+s20+$0x0] =	vst.idx.msk vm2, v10  }
0xe1: {  	s18 =	sshra.s32 s1, $0x1F;
	p6 =	slt.s32 s1, $0x1;
	p1 =	sne.s32 s17, $0x0;
	[tilespmem:v60+s21+$0x0] =	vst.idx.msk vm2, v12  }
0xe2: {  	s22 =	sshrl.u32 s18, $0x19;
	p0 =	por !p6, !p1;
	[tilespmem:v11+s20+$0x0] =	vst.idx.msk vm3, v10  }
0xe3: {  	s2 =	simm.s32 $0x1;
	p0 =	por !p0, !p0;
	s1 =	sadd.s32 s22, s1;
	[tilespmem:v11+s21+$0x0] =	vst.idx.msk vm3, v12  }
0xe4: {  	s2 =	simm.s32 @!p0 $0x0;
	s1 =	sshra.s32 s1, $0x7;
	[tilespmem:v63+s20+$0x0] =	vst.idx.msk vm14, v10  }
0xe5: {  	s0 =	simm.s32 $0x2;
	s4 =	ssub.s32 s1, s2;
	[tilespmem:v63+s21+$0x0] =	vst.idx.msk vm14, v12  }
0xe6: {  	p0 =	slt.s32 s4, $0x1;
	_ =	swait.ge [sflag:s0], $0x4000  }
.Ltmp6:
0xe7: {  	[sflag:s0] =	ssyncset.done $0x0;
	(pc) =	sbr.rel @p0 .LBB2_13-.Ltmp6, $4  }
0xe8: {  	s23 =	simm.s32 $0x3;
	[sflag:s0] =	ssyncadd.s32 $0xFFFFC000  }
0xe9: {  	_ =	swait.ge [sflag:s23], $0xC40  }
0xea: {  	[sflag:s23] =	ssyncset.done $0x0  }
0xeb: {  	s9 =	simm.s32 $0x0;
	[sflag:s23] =	ssyncadd.s32 $0xFFFFF3C0  }
.LBB2_10:
0xec: {  	s1 =	sshll.u32 s9, $0x7  }
0xed: {  	s2 =	sadd.s32 $0x9900, s1  }
0xee: {  	[tilespmem:s25], [sflag:$0x4] =	stream.indirect.gather [hbm4b:s3+s24], $0x80, s2, s24, $0xb8;
	[tilespmem:$0x13F80] =	vst v63  }
0xef: {  	s0 =	rddreg [dreg:$0x0];
	s11 =	sadd.s32 $0x8C80, s1  }
0xf0: {  	[tilespmem:s26], [sflag:$0x5] =	stream.indirect.gather [hbm4b:s0+s24], $0x80, s11, s24, $0xb8;
	[tilespmem:$0x13F80] =	vst v63  }
0xf1: {  	v10 =	vld [tilespmem:s1+$0x8C80]  }
0xf2: {  	v11 =	vld [tilespmem:s1+$0x9900];
	_ =	sdelay $0x3  }
0xf3: {  	v10 =	vsub.s32 v10, v3;
	_ =	sdelay $0x3  }
0xf4: {  	v11 =	vld.idx.msk [tilespmem:v11+s10+$0x0], $0xffff  }
0xf5: {  	v10 =	vld.idx.msk [tilespmem:v10+s13+$0x0], $0xffff;
	_ =	sdelay $0x4  }
0xf6: {  	v10 =	vsub.f32 v11, v10;
	_ =	sdelay $0x1  }
0xf7: {  	v10 =	vmax.f32 v10, $0.0e+00  }
0xf8: {  	v10 =	vmul.f32 $-1.732867960e-02, v10;
	_ =	sdelay $0x1  }
0xf9: {  	v10 =	vmul.f32 $1.442695020e+00, v10;
	_ =	sdelay $0x1  }
0xfa: {  	(erf) = vpow2.f32 v10;
	_ =	sdelay $0x8  }
0xfb: {  	v10 =	vpop (erf)  }
0xfc: {  	[tilespmem:$0xB200] =	vst v10  }
0xfd: {  	v10 =	vld [tilespmem:s1+$0x8C90]  }
0xfe: {  	v11 =	vld [tilespmem:s1+$0x9910];
	_ =	sdelay $0x3  }
0xff: {  	v10 =	vsub.s32 v10, v3;
	_ =	sdelay $0x3  }
0x100: {  	v11 =	vld.idx.msk [tilespmem:v11+s10+$0x0], $0xffff  }
0x101: {  	v10 =	vld.idx.msk [tilespmem:v10+s13+$0x0], $0xffff;
	_ =	sdelay $0x4  }
0x102: {  	v10 =	vsub.f32 v11, v10;
	_ =	sdelay $0x1  }
0x103: {  	v10 =	vmax.f32 v10, $0.0e+00  }
0x104: {  	v10 =	vmul.f32 $-1.732867960e-02, v10;
	_ =	sdelay $0x1  }
0x105: {  	v10 =	vmul.f32 $1.442695020e+00, v10;
	_ =	sdelay $0x1  }
0x106: {  	(erf) = vpow2.f32 v10;
	_ =	sdelay $0x8  }
0x107: {  	v10 =	vpop (erf)  }
0x108: {  	[tilespmem:$0xB210] =	vst v10  }
0x109: {  	v10 =	vld [tilespmem:s1+$0x8CA0]  }
0x10a: {  	v11 =	vld [tilespmem:s1+$0x9920];
	_ =	sdelay $0x3  }
0x10b: {  	v10 =	vsub.s32 v10, v3;
	_ =	sdelay $0x3  }
0x10c: {  	v11 =	vld.idx.msk [tilespmem:v11+s10+$0x0], $0xffff  }
0x10d: {  	v10 =	vld.idx.msk [tilespmem:v10+s13+$0x0], $0xffff;
	_ =	sdelay $0x4  }
0x10e: {  	v10 =	vsub.f32 v11, v10;
	_ =	sdelay $0x1  }
0x10f: {  	v10 =	vmax.f32 v10, $0.0e+00  }
0x110: {  	v10 =	vmul.f32 $-1.732867960e-02, v10;
	_ =	sdelay $0x1  }
0x111: {  	v10 =	vmul.f32 $1.442695020e+00, v10;
	_ =	sdelay $0x1  }
0x112: {  	(erf) = vpow2.f32 v10;
	_ =	sdelay $0x8  }
0x113: {  	v10 =	vpop (erf)  }
0x114: {  	[tilespmem:$0xB220] =	vst v10  }
0x115: {  	v10 =	vld [tilespmem:s1+$0x8CB0]  }
0x116: {  	v11 =	vld [tilespmem:s1+$0x9930];
	_ =	sdelay $0x3  }
0x117: {  	v10 =	vsub.s32 v10, v3;
	_ =	sdelay $0x3  }
0x118: {  	v11 =	vld.idx.msk [tilespmem:v11+s10+$0x0], $0xffff  }
0x119: {  	v10 =	vld.idx.msk [tilespmem:v10+s13+$0x0], $0xffff;
	_ =	sdelay $0x4  }
0x11a: {  	v10 =	vsub.f32 v11, v10;
	_ =	sdelay $0x1  }
0x11b: {  	v10 =	vmax.f32 v10, $0.0e+00  }
0x11c: {  	v10 =	vmul.f32 $-1.732867960e-02, v10;
	_ =	sdelay $0x1  }
0x11d: {  	v10 =	vmul.f32 $1.442695020e+00, v10;
	_ =	sdelay $0x1  }
0x11e: {  	(erf) = vpow2.f32 v10;
	_ =	sdelay $0x8  }
0x11f: {  	v10 =	vpop (erf)  }
0x120: {  	[tilespmem:$0xB230] =	vst v10  }
0x121: {  	v10 =	vld [tilespmem:s1+$0x8CC0]  }
0x122: {  	v11 =	vld [tilespmem:s1+$0x9940];
	_ =	sdelay $0x3  }
0x123: {  	v10 =	vsub.s32 v10, v3;
	_ =	sdelay $0x3  }
0x124: {  	v11 =	vld.idx.msk [tilespmem:v11+s10+$0x0], $0xffff  }
0x125: {  	v10 =	vld.idx.msk [tilespmem:v10+s13+$0x0], $0xffff;
	_ =	sdelay $0x4  }
0x126: {  	v10 =	vsub.f32 v11, v10;
	_ =	sdelay $0x1  }
0x127: {  	v10 =	vmax.f32 v10, $0.0e+00  }
0x128: {  	v10 =	vmul.f32 $-1.732867960e-02, v10;
	_ =	sdelay $0x1  }
0x129: {  	v10 =	vmul.f32 $1.442695020e+00, v10;
	_ =	sdelay $0x1  }
0x12a: {  	(erf) = vpow2.f32 v10;
	_ =	sdelay $0x8  }
0x12b: {  	v10 =	vpop (erf)  }
0x12c: {  	[tilespmem:$0xB240] =	vst v10  }
0x12d: {  	v10 =	vld [tilespmem:s1+$0x8CD0]  }
0x12e: {  	v11 =	vld [tilespmem:s1+$0x9950];
	_ =	sdelay $0x3  }
0x12f: {  	v10 =	vsub.s32 v10, v3;
	_ =	sdelay $0x3  }
0x130: {  	v11 =	vld.idx.msk [tilespmem:v11+s10+$0x0], $0xffff  }
0x131: {  	v10 =	vld.idx.msk [tilespmem:v10+s13+$0x0], $0xffff;
	_ =	sdelay $0x4  }
0x132: {  	v10 =	vsub.f32 v11, v10;
	_ =	sdelay $0x1  }
0x133: {  	v10 =	vmax.f32 v10, $0.0e+00  }
0x134: {  	v10 =	vmul.f32 $-1.732867960e-02, v10;
	_ =	sdelay $0x1  }
0x135: {  	v10 =	vmul.f32 $1.442695020e+00, v10;
	_ =	sdelay $0x1  }
0x136: {  	(erf) = vpow2.f32 v10;
	_ =	sdelay $0x8  }
0x137: {  	v10 =	vpop (erf)  }
0x138: {  	[tilespmem:$0xB250] =	vst v10  }
0x139: {  	v10 =	vld [tilespmem:s1+$0x8CE0]  }
0x13a: {  	v11 =	vld [tilespmem:s1+$0x9960];
	_ =	sdelay $0x3  }
0x13b: {  	v10 =	vsub.s32 v10, v3;
	_ =	sdelay $0x3  }
0x13c: {  	v11 =	vld.idx.msk [tilespmem:v11+s10+$0x0], $0xffff  }
0x13d: {  	v10 =	vld.idx.msk [tilespmem:v10+s13+$0x0], $0xffff;
	_ =	sdelay $0x4  }
0x13e: {  	v10 =	vsub.f32 v11, v10;
	_ =	sdelay $0x1  }
0x13f: {  	v10 =	vmax.f32 v10, $0.0e+00  }
0x140: {  	v10 =	vmul.f32 $-1.732867960e-02, v10;
	_ =	sdelay $0x1  }
0x141: {  	v10 =	vmul.f32 $1.442695020e+00, v10;
	_ =	sdelay $0x1  }
0x142: {  	(erf) = vpow2.f32 v10;
	_ =	sdelay $0x8  }
0x143: {  	v10 =	vpop (erf)  }
0x144: {  	[tilespmem:$0xB260] =	vst v10  }
0x145: {  	v10 =	vld [tilespmem:s1+$0x8CF0]  }
0x146: {  	v11 =	vld [tilespmem:s1+$0x9970];
	_ =	sdelay $0x3  }
0x147: {  	v10 =	vsub.s32 v10, v3;
	_ =	sdelay $0x3  }
0x148: {  	v11 =	vld.idx.msk [tilespmem:v11+s10+$0x0], $0xffff  }
0x149: {  	v10 =	vld.idx.msk [tilespmem:v10+s13+$0x0], $0xffff;
	_ =	sdelay $0x4  }
0x14a: {  	v10 =	vsub.f32 v11, v10;
	_ =	sdelay $0x1  }
0x14b: {  	v10 =	vmax.f32 v10, $0.0e+00  }
0x14c: {  	v10 =	vmul.f32 $-1.732867960e-02, v10;
	_ =	sdelay $0x1  }
0x14d: {  	v10 =	vmul.f32 $1.442695020e+00, v10;
	_ =	sdelay $0x1  }
0x14e: {  	(erf) = vpow2.f32 v10;
	_ =	sdelay $0x8  }
0x14f: {  	v10 =	vpop (erf)  }
0x150: {  	[tilespmem:$0xB270] =	vst v10  }
0x151: {  	_ =	swait.ge [sflag:s28], $0x4000  }
0x152: {  	v10 =	vmov s19;
	[sflag:s28] =	ssyncset.done $0x0  }
0x153: {  	v10 =	vand.u32 $0xFFFFFFFE, v10;
	[sflag:s28] =	ssyncadd.s32 $0xFFFFC000  }
0x154: {  	v10 =	vbroadcast v10, $0x0;
	_ =	swait.ge [sflag:s29], $0x4000  }
0x155: {  	[sflag:s29] =	ssyncset.done $0x0  }
0x156: {  	s12 =	simm.s32 $0xF300;
	[sflag:s29] =	ssyncadd.s32 $0xFFFFC000  }
0x157: {  	s23 =	simm.s32 $0xB300;
	v11 =	vld [tilespmem:s12+$0xFFFFFF80]  }
0x158: {  	v12 =	vld [tilespmem:s23+$0xFFFFFF80];
	_ =	sdelay $0x1  }
0x159: {  	v25 =	vld.idx.msk [tilespmem:v10+s30+$0x0], $0xffff;
	_ =	sdelay $0x2  }
0x15a: {  	v10 =	vsub.f32 v11, v12;
	_ =	sdelay $0x1  }
0x15b: {  	v10 =	vmul.f32 v10, v25;
	_ =	sdelay $0x1  }
0x15c: {  	v10 =	vadd.f32 v10, v12;
	_ =	sdelay $0x1  }
0x15d: {  	[tilespmem:s12+$0xFFFFFF80] =	vst v10;
	v10 =	vld [tilespmem:s12+$0xFFFFFF90]  }
0x15e: {  	v11 =	vld [tilespmem:s23+$0xFFFFFF90];
	_ =	sdelay $0x1  }
0x15f: {  	s17 =	simm.s32 $0x1  }
0x160: {  	v12 =	vmov s17;
	_ =	sdelay $0x1  }
0x161: {  	v13 =	vld [tilespmem:s12+$0x0];
	v10 =	vsub.f32 v10, v11  }
0x162: {  	v14 =	vld [tilespmem:s23+$0x0]  }
0x163: {  	v15 =	vmul.f32 v10, v25  }
0x164: {  	v10 =	vld.idx.msk [tilespmem:v12+s30+$0x0], $0xffff  }
0x165: {  	v11 =	vadd.f32 v15, v11;
	_ =	sdelay $0x1  }
0x166: {  	v12 =	vld [tilespmem:s12+$0xFFFFFFA0];
	[tilespmem:s12+$0xFFFFFF90] =	vst v11;
	v11 =	vsub.f32 v13, v14  }
0x167: {  	v13 =	vld [tilespmem:s23+$0xFFFFFFA0]  }
0x168: {  	v11 =	vmul.f32 v11, v10  }
0x169: {  	s18 =	simm.s32 $0x2  }
0x16a: {  	v16 =	vmov s18;
	v11 =	vadd.f32 v11, v14  }
0x16b: {  	v14 =	vand.u32 $0xFFFFFFFE, v16  }
0x16c: {  	s17 =	simm.s32 $0xB400;
	v14 =	vbroadcast v14, $0x0;
	[tilespmem:s12+$0x0] =	vst v11;
	v11 =	vsub.f32 v12, v13  }
0x16d: {  	v20 =	vld [tilespmem:s17+$0xFFFFFF80]  }
0x16e: {  	v15 =	vld [tilespmem:s12+$0x10];
	v11 =	vmul.f32 v11, v25  }
0x16f: {  	s16 =	simm.s32 $0xF400;
	v12 =	vld [tilespmem:s23+$0x10]  }
0x170: {  	v16 =	vld [tilespmem:s16+$0xFFFFFF80];
	v11 =	vadd.f32 v11, v13  }
0x171: {  	v21 =	vld [tilespmem:s12+$0xFFFFFFB0]  }
0x172: {  	v26 =	vld.idx.msk [tilespmem:v14+s30+$0x0], $0xffff;
	[tilespmem:s12+$0xFFFFFFA0] =	vst v11  }
0x173: {  	v13 =	vld [tilespmem:s23+$0xFFFFFFB0]  }
0x174: {  	v17 =	vld [tilespmem:s12+$0x20];
	v11 =	vsub.f32 v15, v12  }
0x175: {  	v19 =	vld [tilespmem:s12+$0x30];
	v14 =	vsub.f32 v16, v20  }
0x176: {  	v24 =	vld [tilespmem:s12+$0x40];
	v11 =	vmul.f32 v11, v10  }
0x177: {  	v18 =	vld [tilespmem:s12+$0x50];
	v14 =	vmul.f32 v14, v26  }
0x178: {  	v22 =	vld [tilespmem:s12+$0x60];
	v12 =	vadd.f32 v11, v12;
	v15 =	vsub.f32 v21, v13  }
0x179: {  	v23 =	vld [tilespmem:s12+$0xFFFFFFC0];
	v14 =	vadd.f32 v14, v20  }
0x17a: {  	s22 =	simm.s32 $0x3;
	[tilespmem:s12+$0x10] =	vst v12;
	v20 =	vld [tilespmem:s16+$0x0];
	v12 =	vmul.f32 v15, v25  }
0x17b: {  	[tilespmem:s16+$0xFFFFFF80] =	vst v14;
	v14 =	vld [tilespmem:s16+$0xFFFFFF90];
	v15 =	vmov s22  }
0x17c: {  	v12 =	vadd.f32 v12, v13;
	v13 =	vld [tilespmem:s17+$0xFFFFFF90]  }
0x17d: {  	v16 =	vld [tilespmem:s23+$0x20]  }
0x17e: {  	v21 =	vld [tilespmem:s17+$0x0];
	[tilespmem:s12+$0xFFFFFFB0] =	vst v12  }
0x17f: {  	v27 =	vld [tilespmem:s23+$0xFFFFFFC0]  }
0x180: {  	v12 =	vld.idx.msk [tilespmem:v15+s30+$0x0], $0xffff  }
0x181: {  	v28 =	vld [tilespmem:s16+$0x20];
	v14 =	vsub.f32 v14, v13  }
0x182: {  	v29 =	vld [tilespmem:s16+$0x50];
	v15 =	vsub.f32 v17, v16  }
0x183: {  	s7 =	simm.s32 $0xF500;
	v32 =	vld [tilespmem:s16+$0xFFFFFFB0];
	v17 =	vsub.f32 v20, v21;
	v14 =	vmul.f32 v14, v26  }
0x184: {  	v33 =	vld [tilespmem:s7+$0xFFFFFF80];
	v15 =	vmul.f32 v15, v10  }
0x185: {  	v53 =	vld [tilespmem:s12+$0xFFFFFFE0];
	v23 =	vsub.f32 v23, v27;
	v13 =	vadd.f32 v14, v13;
	v14 =	vmul.f32 v17, v12  }
0x186: {  	v54 =	vld [tilespmem:s7+$0x0]  }
0x187: {  	v15 =	vadd.f32 v15, v16;
	v16 =	vmul.f32 v23, v25;
	[tilespmem:s16+$0xFFFFFF90] =	vst v13;
	v13 =	vadd.f32 v14, v21;
	v14 =	vld [tilespmem:s16+$0xFFFFFFA0]  }
0x188: {  	v21 =	vld [tilespmem:s17+$0xFFFFFFA0]  }
0x189: {  	v20 =	vld [tilespmem:s16+$0x10];
	[tilespmem:s12+$0x20] =	vst v15;
	v15 =	vadd.f32 v16, v27  }
0x18a: {  	s0 =	simm.s32 $0x4;
	[tilespmem:s16+$0x0] =	vst v13;
	v13 =	vld [tilespmem:s12+$0xFFFFFFD0]  }
0x18b: {  	v30 =	vld [tilespmem:s17+$0x10];
	[tilespmem:s12+$0xFFFFFFC0] =	vst v15;
	v15 =	vmov s0  }
0x18c: {  	s18 =	simm.s32 $0xB500;
	v31 =	vld [tilespmem:s23+$0xFFFFFFD0];
	v15 =	vand.u32 $0xFFFFFFFE, v15  }
0x18d: {  	v35 =	vld [tilespmem:s18+$0x0];
	v15 =	vbroadcast v15, $0x0;
	v14 =	vsub.f32 v14, v21  }
0x18e: {  	v56 =	vld [tilespmem:s16+$0xFFFFFFC0]  }
0x18f: {  	v57 =	vld [tilespmem:s7+$0x10];
	v14 =	vmul.f32 v14, v26  }
0x190: {  	v27 =	vld [tilespmem:s23+$0x30];
	v20 =	vsub.f32 v20, v30  }
0x191: {  	v36 =	vld [tilespmem:s7+$0x20];
	v13 =	vsub.f32 v13, v31;
	v14 =	vadd.f32 v14, v21  }
0x192: {  	v20 =	vmul.f32 v20, v12;
	v21 =	vld [tilespmem:s18+$0xFFFFFF80]  }
0x193: {  	v34 =	vmul.f32 v13, v25;
	v13 =	vld.idx.msk [tilespmem:v15+s30+$0x0], $0xffff;
	[tilespmem:s16+$0xFFFFFFA0] =	vst v14  }
0x194: {  	v15 =	vadd.f32 v20, v30;
	v20 =	vld [tilespmem:s17+$0xFFFFFFB0]  }
0x195: {  	s2 =	simm.s32 $0x5;
	v40 =	vld [tilespmem:s7+$0xFFFFFFB0];
	v19 =	vsub.f32 v19, v27;
	v30 =	vadd.f32 v34, v31  }
0x196: {  	v63 =	vld [tilespmem:s16+$0xFFFFFFE0];
	v31 =	vmov s2;
	[tilespmem:s16+$0x10] =	vst v15  }
0x197: {  	s22 =	simm.s32 $0x7;
	v15 =	vmul.f32 v19, v10;
	v19 =	vld [tilespmem:s17+$0x20];
	[tilespmem:s12+$0xFFFFFFD0] =	vst v30;
	v30 =	vsub.f32 v33, v21  }
0x198: {  	v11 =	vld [tilespmem:s12+$0x70];
	v39 =	vmov s22  }
0x199: {  	s22 =	simm.s32 $0xB600;
	v15 =	vadd.f32 v15, v27;
	v27 =	vld [tilespmem:s23+$0xFFFFFFE0];
	v30 =	vmul.f32 v30, v13;
	v32 =	vsub.f32 v32, v20  }
0x19a: {  	v42 =	vld [tilespmem:s22+$0xFFFFFF80]  }
0x19b: {  	[tilespmem:s12+$0x30] =	vst v15;
	v15 =	vld.idx.msk [tilespmem:v31+s30+$0x0], $0xffff;
	v21 =	vadd.f32 v30, v21;
	v30 =	vmul.f32 v32, v26  }
0x19c: {  	v55 =	vld [tilespmem:s23+$0x40];
	v28 =	vsub.f32 v28, v19  }
0x19d: {  	[tilespmem:s7+$0xFFFFFF80] =	vst v21;
	v21 =	vld [tilespmem:s7+$0xFFFFFF90];
	v20 =	vadd.f32 v30, v20  }
0x19e: {  	v28 =	vmul.f32 v28, v12;
	v30 =	vsub.f32 v53, v27;
	v31 =	vld [tilespmem:s18+$0xFFFFFF90]  }
0x19f: {  	v48 =	vld [tilespmem:s22+$0x0];
	[tilespmem:s16+$0xFFFFFFB0] =	vst v20;
	v20 =	vsub.f32 v54, v35  }
0x1a0: {  	v19 =	vadd.f32 v28, v19;
	v28 =	vmul.f32 v30, v25;
	v30 =	vld [tilespmem:s17+$0xFFFFFFC0]  }
0x1a1: {  	v17 =	vld [tilespmem:s16+$0x30];
	v20 =	vmul.f32 v20, v15  }
0x1a2: {  	v23 =	vld [tilespmem:s16+$0x40];
	v24 =	vsub.f32 v24, v55;
	[tilespmem:s16+$0x20] =	vst v19;
	v19 =	vadd.f32 v28, v27  }
0x1a3: {  	v16 =	vld [tilespmem:s16+$0x60];
	v21 =	vsub.f32 v21, v31;
	v20 =	vadd.f32 v20, v35  }
0x1a4: {  	v24 =	vmul.f32 v24, v10;
	v27 =	vld [tilespmem:s17+$0x30];
	[tilespmem:s12+$0xFFFFFFE0] =	vst v19  }
0x1a5: {  	v14 =	vld [tilespmem:s16+$0x70];
	v19 =	vmul.f32 v21, v13;
	[tilespmem:s7+$0x0] =	vst v20;
	v20 =	vsub.f32 v56, v30  }
0x1a6: {  	s2 =	simm.s32 $0xF600;
	v21 =	vadd.f32 v24, v55;
	v24 =	vld [tilespmem:s18+$0x10]  }
0x1a7: {  	v41 =	vld [tilespmem:s2+$0xFFFFFF80];
	v19 =	vadd.f32 v19, v31;
	v20 =	vmul.f32 v20, v26  }
0x1a8: {  	v47 =	vld [tilespmem:s2+$0x0]  }
0x1a9: {  	v17 =	vsub.f32 v17, v27;
	[tilespmem:s7+$0xFFFFFF90] =	vst v19;
	v19 =	vadd.f32 v20, v30;
	v30 =	vld [tilespmem:s7+$0xFFFFFFA0]  }
0x1aa: {  	v59 =	vld [tilespmem:s18+$0xFFFFFFA0]  }
0x1ab: {  	v17 =	vmul.f32 v17, v12;
	v20 =	vsub.f32 v57, v24;
	[tilespmem:s16+$0xFFFFFFC0] =	vst v19;
	v19 =	vld [tilespmem:s16+$0xFFFFFFD0]  }
0x1ac: {  	s6 =	simm.s32 $0x6;
	v38 =	vld [tilespmem:s17+$0xFFFFFFD0]  }
0x1ad: {  	v43 =	vld [tilespmem:s2+$0x10];
	v17 =	vadd.f32 v17, v27;
	v27 =	vmov s6;
	v37 =	vmul.f32 v20, v15  }
0x1ae: {  	v51 =	vld [tilespmem:s2+$0xFFFFFF90];
	v27 =	vand.u32 $0xFFFFFFFE, v27  }
0x1af: {  	v53 =	vld [tilespmem:s7+$0xFFFFFFC0];
	v27 =	vbroadcast v27, $0x0;
	v24 =	vadd.f32 v37, v24  }
0x1b0: {  	v28 =	vld [tilespmem:s7+$0x30];
	v30 =	vsub.f32 v30, v59  }
0x1b1: {  	v35 =	vld [tilespmem:s12+$0xFFFFFFF0];
	[tilespmem:s7+$0x10] =	vst v24;
	v19 =	vsub.f32 v19, v38  }
0x1b2: {  	v30 =	vmul.f32 v30, v13;
	v24 =	vld [tilespmem:s18+$0x20]  }
0x1b3: {  	v33 =	vld [tilespmem:s23+$0xFFFFFFF0];
	v61 =	vmul.f32 v19, v26  }
0x1b4: {  	v55 =	vld [tilespmem:s16+$0xFFFFFFF0];
	v30 =	vadd.f32 v30, v59  }
0x1b5: {  	[tilespmem:s12+$0x40] =	vst v21;
	v19 =	vld.idx.msk [tilespmem:v27+s30+$0x0], $0xffff;
	v27 =	vadd.f32 v61, v38  }
0x1b6: {  	v58 =	vld [tilespmem:s23+$0x50];
	[tilespmem:s7+$0xFFFFFFA0] =	vst v30  }
0x1b7: {  	v30 =	vld [tilespmem:s18+$0xFFFFFFB0];
	[tilespmem:s16+$0xFFFFFFD0] =	vst v27;
	v27 =	vsub.f32 v36, v24  }
0x1b8: {  	v31 =	vld [tilespmem:s7+$0x40]  }
0x1b9: {  	v46 =	vsub.f32 v41, v42;
	v45 =	vld [tilespmem:s17+$0xFFFFFFE0];
	v27 =	vmul.f32 v27, v15  }
0x1ba: {  	v21 =	vld [tilespmem:s7+$0x50];
	v35 =	vsub.f32 v35, v33;
	[tilespmem:s16+$0x30] =	vst v17  }
0x1bb: {  	v18 =	vsub.f32 v18, v58;
	v60 =	vld [tilespmem:s17+$0x40];
	v38 =	vmul.f32 v46, v19;
	v24 =	vadd.f32 v27, v24  }
0x1bc: {  	v35 =	vmul.f32 v35, v25;
	v25 =	vld [tilespmem:s2+$0x60];
	v40 =	vsub.f32 v40, v30  }
0x1bd: {  	v62 =	vmul.f32 v18, v10;
	v18 =	vld.idx.msk [tilespmem:v39+s30+$0x0], $0xffff;
	v38 =	vadd.f32 v38, v42;
	[tilespmem:s7+$0x20] =	vst v24  }
0x1be: {  	v40 =	vmul.f32 v40, v13;
	v24 =	vsub.f32 v63, v45;
	v50 =	vld [tilespmem:s18+$0x30]  }
0x1bf: {  	v20 =	vld [tilespmem:s7+$0x60];
	v39 =	vsub.f32 v47, v48;
	v32 =	vadd.f32 v62, v58;
	[tilespmem:s2+$0xFFFFFF80] =	vst v38  }
0x1c0: {  	v23 =	vsub.f32 v23, v60;
	v52 =	vld [tilespmem:s22+$0xFFFFFF90];
	v30 =	vadd.f32 v40, v30;
	v24 =	vmul.f32 v24, v26  }
0x1c1: {  	v17 =	vld [tilespmem:s7+$0x70];
	[tilespmem:s12+$0x50] =	vst v32  }
0x1c2: {  	v49 =	vld [tilespmem:s23+$0x60];
	v23 =	vmul.f32 v23, v12;
	[tilespmem:s7+$0xFFFFFFB0] =	vst v30;
	v30 =	vmul.f32 v39, v18;
	v34 =	vadd.f32 v24, v45  }
0x1c3: {  	v54 =	vld [tilespmem:s18+$0xFFFFFFC0];
	v28 =	vsub.f32 v28, v50  }
0x1c4: {  	v56 =	vadd.f32 v23, v60;
	v23 =	vld [tilespmem:s2+$0x40];
	v30 =	vadd.f32 v30, v48;
	[tilespmem:s16+$0xFFFFFFE0] =	vst v34  }
0x1c5: {  	v38 =	vsub.f32 v51, v52;
	v57 =	vld [tilespmem:s17+$0xFFFFFFF0];
	v28 =	vmul.f32 v28, v15  }
0x1c6: {  	v27 =	vld [tilespmem:s2+$0x20];
	[tilespmem:s2+$0x0] =	vst v30  }
0x1c7: {  	[tilespmem:s16+$0x40] =	vst v56;
	v58 =	vmul.f32 v38, v19;
	v44 =	vld [tilespmem:s22+$0x10];
	v30 =	vadd.f32 v28, v50  }
0x1c8: {  	v59 =	vsub.f32 v53, v54;
	v28 =	vld [tilespmem:s17+$0x50]  }
0x1c9: {  	v24 =	vld [tilespmem:s2+$0x30];
	v38 =	vadd.f32 v58, v52;
	[tilespmem:s7+$0x30] =	vst v30;
	v30 =	vsub.f32 v22, v49  }
0x1ca: {  	v36 =	vmul.f32 v59, v13;
	v34 =	vsub.f32 v55, v57;
	v32 =	vld [tilespmem:s18+$0x40]  }
0x1cb: {  	v33 =	vadd.f32 v35, v33;
	[tilespmem:s2+$0xFFFFFF90] =	vst v38;
	v38 =	vld [tilespmem:s2+$0xFFFFFFA0];
	v30 =	vmul.f32 v30, v10  }
0x1cc: {  	s0 =	simm.s32 $0x9;
	v22 =	vld [tilespmem:s2+$0x50];
	v60 =	vadd.f32 v36, v54;
	v61 =	vsub.f32 v43, v44;
	v26 =	vmul.f32 v34, v26  }
0x1cd: {  	[tilespmem:s12+$0xFFFFFFF0] =	vst v33;
	v36 =	vld [tilespmem:s22+$0xFFFFFFA0];
	v62 =	vsub.f32 v29, v28;
	v29 =	vmov s0;
	v30 =	vadd.f32 v30, v49  }
0x1ce: {  	v34 =	vld [tilespmem:s7+$0xFFFFFFD0];
	[tilespmem:s7+$0xFFFFFFC0] =	vst v60;
	v63 =	vmul.f32 v61, v18;
	v26 =	vadd.f32 v26, v57  }
0x1cf: {  	s6 =	simm.s32 $0x8;
	v33 =	vld [tilespmem:s18+$0xFFFFFFD0];
	v35 =	vmul.f32 v62, v12;
	[tilespmem:s12+$0x60] =	vst v30;
	v37 =	vsub.f32 v31, v32  }
0x1d0: {  	s1 =	simm.s32 $0xA;
	v39 =	vadd.f32 v63, v44;
	v30 =	vmov s6;
	[tilespmem:s16+$0xFFFFFFF0] =	vst v26;
	v26 =	vld [tilespmem:s23+$0x70];
	s23 =	simm.s32 $0xF600  }
.LBB2_11:
0x1d1: {  	p0 =	slt.u32 s1, $0x7E;
	v30 =	vand.u32 $0xFFFFFFFE, v30;
	v31 =	vld [tilespmem:s2+$0x70];
	v37 =	vmul.f32 v37, v15;
	v28 =	vadd.f32 v35, v28;
	s6 =	smov.u32 s22  }
0x1d2: {  	v30 =	vbroadcast v30, $0x0;
	v29 =	vld.idx.msk [tilespmem:v29+s30+$0x0], $0xffff;
	v35 =	vsub.f32 v38, v36;
	[tilespmem:s2+$0x10] =	vst v39  }
0x1d3: {  	v38 =	vld [tilespmem:s22+$0x20];
	v32 =	vadd.f32 v37, v32;
	[tilespmem:s16+$0x50] =	vst v28  }
0x1d4: {  	v28 =	vmul.f32 v35, v19;
	v34 =	vsub.f32 v34, v33;
	v35 =	vld [tilespmem:s17+$0x60]  }
0x1d5: {  	s2 =	sadd.s32 $0x100, s2;
	v37 =	vld [tilespmem:s23+$0xFFFFFFB0];
	[tilespmem:s7+$0x40] =	vst v32;
	v32 =	vsub.f32 v11, v26;
	v11 =	vmov v14;
	v14 =	vmov v17  }
0x1d6: {  	s22 =	sadd.s32 $0x100, s22;
	v39 =	vld [tilespmem:s2+$0xFFFFFF80];
	v28 =	vadd.f32 v28, v36;
	v34 =	vmul.f32 v34, v13;
	v17 =	vmov v31  }
0x1d7: {  	v31 =	vld [tilespmem:s22+$0xFFFFFF80];
	v32 =	vmul.f32 v32, v10;
	v10 =	vmovc v12;
	v12 =	vmov v15;
	v15 =	vmov v18  }
0x1d8: {  	v18 =	vmov v29;
	v30 =	vld.idx.msk [tilespmem:v30+s30+$0x0], $0xffff;
	[tilespmem:s23+$0xFFFFFFA0] =	vst v28;
	v27 =	vsub.f32 v27, v38;
	v28 =	vadd.f32 v34, v33  }
0x1d9: {  	v29 =	vld [tilespmem:s6+$0xFFFFFFB0];
	v33 =	vsub.f32 v16, v35;
	v26 =	vadd.f32 v32, v26;
	v16 =	vmovc v20;
	v20 =	vmov v25  }
0x1da: {  	v25 =	vmul.f32 v27, v15;
	[tilespmem:s7+$0xFFFFFFD0] =	vst v28;
	v28 =	vld [tilespmem:s7+$0xFFFFFFE0]  }
0x1db: {  	v32 =	vld [tilespmem:s18+$0xFFFFFFE0];
	v27 =	vmul.f32 v33, v10;
	[tilespmem:s12+$0x70] =	vst v26;
	s12 =	smov.u32 s16;
	s16 =	smov.u32 s7;
	s7 =	smov.u32 s23  }
0x1dc: {  	s23 =	smov.u32 s2;
	v26 =	vsub.f32 v39, v31;
	v33 =	vld [tilespmem:s2+$0x0];
	v25 =	vadd.f32 v25, v38  }
0x1dd: {  	v34 =	vld [tilespmem:s22+$0x0];
	v35 =	vadd.f32 v27, v35  }
0x1de: {  	v26 =	vmul.f32 v26, v30;
	v36 =	vld [tilespmem:s2+$0x10];
	v37 =	vsub.f32 v37, v29;
	[tilespmem:s7+$0x20] =	vst v25  }
0x1df: {  	v27 =	vld [tilespmem:s2+$0x20];
	[tilespmem:s12+$0x60] =	vst v35  }
0x1e0: {  	v25 =	vadd.f32 v26, v31;
	v26 =	vmul.f32 v37, v19;
	v31 =	vld [tilespmem:s6+$0x30];
	v28 =	vsub.f32 v28, v32  }
0x1e1: {  	v35 =	vld [tilespmem:s2+$0x30]  }
0x1e2: {  	[tilespmem:s2+$0xFFFFFF80] =	vst v25;
	v25 =	vld [tilespmem:s2+$0xFFFFFF90];
	v33 =	vsub.f32 v33, v34;
	v26 =	vadd.f32 v26, v29;
	v28 =	vmul.f32 v28, v13  }
0x1e3: {  	v29 =	vld [tilespmem:s22+$0xFFFFFF90]  }
0x1e4: {  	v33 =	vmul.f32 v33, v18;
	[tilespmem:s7+$0xFFFFFFB0] =	vst v26;
	v26 =	vld [tilespmem:s7+$0xFFFFFFC0];
	v28 =	vadd.f32 v28, v32  }
0x1e5: {  	v37 =	vld [tilespmem:s6+$0xFFFFFFC0];
	v32 =	vsub.f32 v24, v31  }
0x1e6: {  	v33 =	vadd.f32 v33, v34;
	[tilespmem:s16+$0xFFFFFFE0] =	vst v28;
	v34 =	vld [tilespmem:s16+$0xFFFFFFF0];
	v24 =	vmov v35  }
0x1e7: {  	v28 =	vmul.f32 v32, v15;
	v35 =	vld [tilespmem:s18+$0xFFFFFFF0]  }
0x1e8: {  	v25 =	vsub.f32 v25, v29;
	[tilespmem:s2+$0x0] =	vst v33;
	v39 =	vld [tilespmem:s2+$0x40]  }
0x1e9: {  	v40 =	vld [tilespmem:s22+$0x10];
	v31 =	vadd.f32 v28, v31  }
0x1ea: {  	v25 =	vmul.f32 v25, v30;
	v26 =	vsub.f32 v26, v37;
	v28 =	vld [tilespmem:s18+$0x50]  }
0x1eb: {  	v33 =	vld [tilespmem:s2+$0x50];
	[tilespmem:s7+$0x30] =	vst v31  }
0x1ec: {  	v29 =	vadd.f32 v25, v29;
	v26 =	vmul.f32 v26, v19;
	v32 =	vld [tilespmem:s6+$0x40];
	v31 =	vsub.f32 v34, v35  }
0x1ed: {  	v25 =	vld [tilespmem:s2+$0x60]  }
.Ltmp7:
0x1ee: {  	s0 =	sadd.s32 $0x1, s1;
	[tilespmem:s2+$0xFFFFFF90] =	vst v29;
	v38 =	vld [tilespmem:s2+$0xFFFFFFA0];
	v34 =	vsub.f32 v36, v40;
	v26 =	vadd.f32 v26, v37;
	v31 =	vmul.f32 v31, v13;
	(pc) =	sbr.rel @p0 .LBB2_11-.Ltmp7, $4  }
0x1ef: {  	v29 =	vmov s0;
	v13 =	vmovc v19;
	v19 =	vmovc v30;
	v36 =	vld [tilespmem:s22+$0xFFFFFFA0];
	v41 =	vsub.f32 v21, v28;
	v21 =	vmov v22  }
0x1f0: {  	v42 =	vmul.f32 v34, v18;
	[tilespmem:s7+$0xFFFFFFC0] =	vst v26;
	v34 =	vld [tilespmem:s7+$0xFFFFFFD0];
	v26 =	vadd.f32 v31, v35;
	v22 =	vmov v33  }
0x1f1: {  	v33 =	vld [tilespmem:s6+$0xFFFFFFD0];
	v37 =	vsub.f32 v23, v32;
	v35 =	vmul.f32 v41, v12;
	v23 =	vmov v39  }
0x1f2: {  	v30 =	vmov s1;
	s1 =	sadd.s32 $0x2, s1;
	v39 =	vadd.f32 v42, v40;
	[tilespmem:s16+$0xFFFFFFF0] =	vst v26;
	v26 =	vld [tilespmem:s17+$0x70];
	s17 =	smov.u32 s18;
	s18 =	smov.u32 s6  }
0x1f3: {  	v30 =	vand.u32 $0xFFFFFFFE, v30  }
0x1f4: {  	v30 =	vbroadcast v30, $0x0  }
0x1f5: {  	s6 =	sadd.s32 $0x100, s2  }
0x1f6: {  	s1 =	sadd.s32 $0x100, s22;
	v31 =	vld [tilespmem:s6+$0xFFFFFF80]  }
0x1f7: {  	v40 =	vld [tilespmem:s1+$0xFFFFFF80]  }
0x1f8: {  	v41 =	vld [tilespmem:s6+$0x0]  }
0x1f9: {  	v42 =	vld [tilespmem:s1+$0x0]  }
0x1fa: {  	v30 =	vld.idx.msk [tilespmem:v30+s30+$0x0], $0xffff  }
0x1fb: {  	v29 =	vld.idx.msk [tilespmem:v29+s30+$0x0], $0xffff;
	_ =	sdelay $0x1  }
0x1fc: {  	v31 =	vsub.f32 v31, v40  }
0x1fd: {  	v41 =	vsub.f32 v41, v42  }
0x1fe: {  	v31 =	vmul.f32 v31, v30  }
0x1ff: {  	v48 =	vmul.f32 v41, v29  }
0x200: {  	v31 =	vadd.f32 v31, v40  }
0x201: {  	v49 =	vld [tilespmem:s6+$0xFFFFFF90];
	v40 =	vadd.f32 v48, v42  }
0x202: {  	v51 =	vld [tilespmem:s6+$0x10];
	[tilespmem:s6+$0xFFFFFF80] =	vst v31  }
0x203: {  	[tilespmem:s6+$0x0] =	vst v40;
	v50 =	vld [tilespmem:s1+$0xFFFFFF90]  }
0x204: {  	v40 =	vld [tilespmem:s1+$0x10];
	_ =	sdelay $0x3  }
0x205: {  	v31 =	vsub.f32 v49, v50  }
0x206: {  	v42 =	vsub.f32 v51, v40  }
0x207: {  	v43 =	vmul.f32 v31, v30  }
0x208: {  	v53 =	vmul.f32 v42, v29  }
0x209: {  	[tilespmem:s2+$0x10] =	vst v39;
	v55 =	vld [tilespmem:s6+$0xFFFFFFA0];
	v52 =	vadd.f32 v43, v50  }
0x20a: {  	v54 =	vld [tilespmem:s22+$0x20];
	v40 =	vadd.f32 v53, v40  }
0x20b: {  	v57 =	vld [tilespmem:s6+$0x20];
	[tilespmem:s6+$0xFFFFFF90] =	vst v52  }
0x20c: {  	[tilespmem:s6+$0x10] =	vst v40;
	v56 =	vld [tilespmem:s1+$0xFFFFFFA0]  }
0x20d: {  	v38 =	vsub.f32 v38, v36;
	v59 =	vld [tilespmem:s1+$0x20];
	_ =	sdelay $0x1  }
0x20e: {  	v38 =	vmul.f32 v38, v19;
	v27 =	vsub.f32 v27, v54;
	_ =	sdelay $0x1  }
0x20f: {  	v58 =	vadd.f32 v38, v36;
	v27 =	vmul.f32 v27, v18;
	v39 =	vsub.f32 v55, v56  }
0x210: {  	v60 =	vld [tilespmem:s23+$0xFFFFFFB0];
	v61 =	vsub.f32 v57, v59  }
0x211: {  	v46 =	vld [tilespmem:s6+$0xFFFFFFB0];
	[tilespmem:s23+$0xFFFFFFA0] =	vst v58;
	v27 =	vadd.f32 v27, v54;
	v39 =	vmul.f32 v39, v30  }
0x212: {  	v36 =	vld [tilespmem:s22+$0xFFFFFFB0];
	v63 =	vmul.f32 v61, v29  }
0x213: {  	v31 =	vld [tilespmem:s2+$0x70];
	[tilespmem:s23+$0x20] =	vst v27;
	v62 =	vadd.f32 v39, v56  }
0x214: {  	v45 =	vld [tilespmem:s22+$0x30];
	v47 =	vadd.f32 v63, v59  }
0x215: {  	v50 =	vld [tilespmem:s6+$0x30];
	[tilespmem:s6+$0xFFFFFFA0] =	vst v62  }
0x216: {  	[tilespmem:s6+$0x20] =	vst v47;
	v49 =	vld [tilespmem:s1+$0xFFFFFFB0]  }
0x217: {  	v40 =	vsub.f32 v60, v36;
	v52 =	vld [tilespmem:s1+$0x30];
	_ =	sdelay $0x1  }
0x218: {  	v48 =	vmul.f32 v40, v19  }
0x219: {  	v24 =	vsub.f32 v24, v45  }
0x21a: {  	v51 =	vadd.f32 v48, v36;
	v54 =	vsub.f32 v46, v49  }
0x21b: {  	v24 =	vmul.f32 v24, v18;
	v40 =	vsub.f32 v50, v52  }
0x21c: {  	v53 =	vld [tilespmem:s23+$0xFFFFFFC0];
	[tilespmem:s23+$0xFFFFFFB0] =	vst v51;
	v38 =	vmul.f32 v54, v30  }
0x21d: {  	v24 =	vadd.f32 v24, v45;
	v55 =	vld [tilespmem:s22+$0xFFFFFFC0];
	v56 =	vmul.f32 v40, v29  }
0x21e: {  	v58 =	vld [tilespmem:s6+$0xFFFFFFC0];
	v38 =	vadd.f32 v38, v49  }
0x21f: {  	v57 =	vld [tilespmem:s6+$0x40];
	[tilespmem:s23+$0x30] =	vst v24;
	v36 =	vadd.f32 v56, v52  }
0x220: {  	v60 =	vld [tilespmem:s22+$0x40];
	[tilespmem:s6+$0xFFFFFFB0] =	vst v38  }
0x221: {  	v37 =	vmul.f32 v37, v15;
	[tilespmem:s6+$0x30] =	vst v36;
	v59 =	vld [tilespmem:s1+$0xFFFFFFC0]  }
0x222: {  	v27 =	vsub.f32 v53, v55;
	v36 =	vld [tilespmem:s1+$0x40]  }
0x223: {  	v32 =	vadd.f32 v37, v32  }
0x224: {  	v27 =	vmul.f32 v27, v19  }
0x225: {  	[tilespmem:s7+$0x40] =	vst v32;
	v23 =	vsub.f32 v23, v60  }
0x226: {  	v43 =	vld [tilespmem:s18+$0x50];
	v27 =	vadd.f32 v27, v55;
	v61 =	vsub.f32 v58, v59  }
0x227: {  	v23 =	vmul.f32 v23, v18;
	v40 =	vsub.f32 v57, v36  }
0x228: {  	v45 =	vld [tilespmem:s6+$0x50];
	[tilespmem:s23+$0xFFFFFFC0] =	vst v27;
	v27 =	vmul.f32 v61, v30  }
0x229: {  	v62 =	vld [tilespmem:s23+$0xFFFFFFD0];
	v23 =	vadd.f32 v23, v60;
	v44 =	vmul.f32 v40, v29  }
0x22a: {  	v42 =	vsub.f32 v34, v33;
	v63 =	vld [tilespmem:s22+$0xFFFFFFD0];
	v24 =	vadd.f32 v27, v59  }
0x22b: {  	v21 =	vsub.f32 v21, v43;
	v46 =	vld [tilespmem:s6+$0xFFFFFFD0];
	[tilespmem:s23+$0x40] =	vst v23;
	v34 =	vadd.f32 v44, v36  }
0x22c: {  	v32 =	vmul.f32 v42, v13;
	v49 =	vld [tilespmem:s22+$0x50];
	[tilespmem:s6+$0xFFFFFFC0] =	vst v24  }
0x22d: {  	v28 =	vadd.f32 v35, v28;
	v21 =	vmul.f32 v21, v15;
	[tilespmem:s6+$0x40] =	vst v34;
	v48 =	vld [tilespmem:s1+$0xFFFFFFD0]  }
0x22e: {  	v32 =	vadd.f32 v32, v33;
	v51 =	vld [tilespmem:s1+$0x50]  }
0x22f: {  	[tilespmem:s16+$0x50] =	vst v28;
	v21 =	vadd.f32 v21, v43;
	v47 =	vsub.f32 v62, v63  }
0x230: {  	v28 =	vld [tilespmem:s17+$0x60];
	[tilespmem:s7+$0xFFFFFFD0] =	vst v32  }
0x231: {  	[tilespmem:s7+$0x50] =	vst v21;
	v53 =	vld [tilespmem:s18+$0xFFFFFFE0];
	v50 =	vmul.f32 v47, v19;
	v22 =	vsub.f32 v22, v49  }
0x232: {  	v60 =	vld [tilespmem:s18+$0x60];
	v24 =	vsub.f32 v46, v48  }
0x233: {  	v54 =	vld [tilespmem:s23+$0xFFFFFFE0];
	v32 =	vadd.f32 v50, v63;
	v22 =	vmul.f32 v22, v18;
	v55 =	vsub.f32 v45, v51  }
0x234: {  	v52 =	vld [tilespmem:s7+$0xFFFFFFE0];
	v24 =	vmul.f32 v24, v30  }
0x235: {  	v16 =	vsub.f32 v16, v28;
	v62 =	vld [tilespmem:s6+$0xFFFFFFE0];
	[tilespmem:s23+$0xFFFFFFD0] =	vst v32;
	v22 =	vadd.f32 v22, v49;
	v59 =	vmul.f32 v55, v29  }
0x236: {  	v56 =	vld [tilespmem:s22+$0xFFFFFFE0];
	v58 =	vadd.f32 v24, v48  }
0x237: {  	v16 =	vmul.f32 v16, v12;
	v57 =	vld [tilespmem:s6+$0x60];
	[tilespmem:s23+$0x50] =	vst v22;
	v23 =	vadd.f32 v59, v51  }
0x238: {  	v20 =	vsub.f32 v20, v60;
	v36 =	vld [tilespmem:s22+$0x60];
	[tilespmem:s6+$0xFFFFFFD0] =	vst v58  }
0x239: {  	v16 =	vadd.f32 v16, v28;
	[tilespmem:s6+$0x50] =	vst v23;
	v63 =	vld [tilespmem:s1+$0xFFFFFFE0]  }
0x23a: {  	v20 =	vmul.f32 v20, v15;
	v34 =	vsub.f32 v52, v53;
	v23 =	vld [tilespmem:s1+$0x60]  }
0x23b: {  	[tilespmem:s16+$0x60] =	vst v16;
	v27 =	vsub.f32 v54, v56  }
0x23c: {  	v41 =	vld [tilespmem:s17+$0x70];
	v20 =	vadd.f32 v20, v60;
	v61 =	vmul.f32 v34, v13  }
0x23d: {  	v42 =	vld [tilespmem:s6+$0x70];
	v27 =	vmul.f32 v27, v19;
	v25 =	vsub.f32 v25, v36  }
0x23e: {  	v39 =	vld [tilespmem:s7+$0xFFFFFFF0];
	[tilespmem:s7+$0x60] =	vst v20;
	v32 =	vadd.f32 v61, v53;
	v21 =	vsub.f32 v62, v63  }
0x23f: {  	v47 =	vld [tilespmem:s18+$0x70];
	v27 =	vadd.f32 v27, v56;
	v25 =	vmul.f32 v25, v18;
	v43 =	vsub.f32 v57, v23  }
0x240: {  	v44 =	vld [tilespmem:s23+$0xFFFFFFF0];
	[tilespmem:s7+$0xFFFFFFE0] =	vst v32;
	v21 =	vmul.f32 v21, v30  }
0x241: {  	[tilespmem:s23+$0xFFFFFFE0] =	vst v27;
	v40 =	vld [tilespmem:s18+$0xFFFFFFF0];
	v25 =	vadd.f32 v25, v36;
	v46 =	vmul.f32 v43, v29  }
0x242: {  	v11 =	vsub.f32 v11, v26;
	v45 =	vld [tilespmem:s22+$0xFFFFFFF0];
	v21 =	vadd.f32 v21, v63  }
0x243: {  	[tilespmem:s23+$0x60] =	vst v25;
	v48 =	vld [tilespmem:s6+$0xFFFFFFF0];
	v22 =	vadd.f32 v46, v23  }
0x244: {  	v10 =	vmul.f32 v11, v10;
	v11 =	vsub.f32 v14, v41;
	v51 =	vld [tilespmem:s22+$0x70];
	[tilespmem:s6+$0xFFFFFFE0] =	vst v21  }
0x245: {  	[tilespmem:s6+$0x60] =	vst v22;
	v49 =	vld [tilespmem:s1+$0xFFFFFFF0]  }
0x246: {  	v10 =	vadd.f32 v10, v26;
	v11 =	vmul.f32 v11, v12;
	v55 =	vsub.f32 v17, v47;
	v52 =	vld [tilespmem:s1+$0x70]  }
0x247: {  	v50 =	vsub.f32 v39, v40  }
0x248: {  	[tilespmem:s12+$0x70] =	vst v10;
	v10 =	vadd.f32 v11, v41;
	v11 =	vmul.f32 v55, v15;
	v54 =	vsub.f32 v44, v45  }
0x249: {  	v53 =	vmul.f32 v50, v13;
	v58 =	vsub.f32 v31, v51  }
0x24a: {  	[tilespmem:s16+$0x70] =	vst v10;
	v10 =	vadd.f32 v11, v47;
	v56 =	vmul.f32 v54, v19;
	v57 =	vsub.f32 v48, v49  }
0x24b: {  	v13 =	vadd.f32 v53, v40;
	v11 =	vmul.f32 v58, v18;
	v61 =	vsub.f32 v42, v52  }
0x24c: {  	[tilespmem:s7+$0x70] =	vst v10;
	v59 =	vadd.f32 v56, v45;
	v60 =	vmul.f32 v57, v30  }
0x24d: {  	[tilespmem:s7+$0xFFFFFFF0] =	vst v13;
	v10 =	vadd.f32 v11, v51;
	v63 =	vmul.f32 v61, v29  }
0x24e: {  	[tilespmem:s23+$0xFFFFFFF0] =	vst v59;
	v62 =	vadd.f32 v60, v49  }
0x24f: {  	[tilespmem:s23+$0x70] =	vst v10;
	v11 =	vadd.f32 v63, v52  }
0x250: {  	s9 =	sadd.s32 $0x1, s9;
	[tilespmem:s6+$0xFFFFFFF0] =	vst v62  }
0x251: {  	p0 =	sne.s32 s9, s4;
	[tilespmem:s6+$0x70] =	vst v11  }
0x252: {  	[hbm4b:s5+s24] =	stream.indirect.scatter [tilespmem:s26], [sflag:$0x8], $0x80, s11, s24, $0xb8;
	[tilespmem:$0x13F80] =	vst v63  }
.Ltmp8:
0x253: {  	_ = 	snop;
	(pc) =	sbr.rel @p0 .LBB2_10-.Ltmp8, $4  }
.Ltmp9:
0x254: {  	_ = 	snop;
	(pc) =	sbr.rel @!p0 .LBB2_13-.Ltmp9, $4  }
0x255: {  	_ =	swait.ge [sflag:s31], $0x4000  }
0x256: {  	[sflag:s31] =	ssyncset.done $0x0  }
0x257: {  	[sflag:s31] =	ssyncadd.s32 $0xFFFFC000  }
0x258: {  	_ = 	snop  }
.LBB2_14:
0x259: {  	_ =	sfence.sel $0x180000  }
0x25a: {  	[bflag:$0x0] =	sbarrier.arrive $0xFFFF  }
0x25b: {  	_ =	strace $0x90000047  }
0x25c: {  	s0 =	stileid.u32;
	[bflag:$0x2] =	sbarrier.arrive $0xFFFF  }
0x25d: {  	p0 =	sne.s32 s0, $0x0;
	s0 =	rddreg [dreg:$0x7]  }
0x25e: {  	s0 =	sadd.s32 @!p0 $0x100000, s0  }
0x25f: {  	[sflag:s0] =	ssyncadd.tile.s32 @!p0 $0x1;
	_ =	shalt  }
.Lfunc_end2:
_tile_overlayer_lowered:
.L_overlay_start_2:
0x260: {  	(tag) =	ssettag $0x2  }
0x261: {  	s0 =	rddreg [dreg:$0x0];
	s2 =	stileid.u32  }
0x262: {  	s1 =	rddreg [dreg:$0x1];
	p0 =	sne.s32 s2, $0x0  }
0x263: {  	s3 =	rddreg [dreg:$0x2];
	[bflag:$0x3] =	sbarrier.arrive $0xFFFF;
	s2 =	simm.s32 @!p0 $0x1C08  }
0x264: {  	[timem:s3], [sflag:s2] =	dma.local @!p0 [hbm:s0], s1  }
0x265: {  	s0 =	simm.s32 @!p0 $0x8  }
0x266: {  	_ =	swait.ge @!p0 [sflag:s0], s1  }
0x267: {  	s1 =	ssub.s32 @!p0 $0x0, s1;
	[sflag:s0] =	ssyncset.done @!p0 $0x0  }
0x268: {  	[sflag:s0] =	ssyncadd.s32 @!p0 s1  }
0x269: {  	[bflag:$0x3] =	sbarrier.arrive $0xFFFF  }
0x26a: {  	_ =	shalt  }

</sc_bundles>
